<compile_context>
chip_gen: v7x
topology: tpu7x:2x2x1
jax: 0.10.2.dev20260603
libtpu: 0.0.44.dev20260713+nightly
codegen_flags: <defaults>
</compile_context>

<pallas_src>
import functools

import jax
import jax.numpy as jnp
from jax import lax
from jax.experimental import pallas as pl
from jax.experimental.pallas import tpu as pltpu
from jax.experimental.pallas import tpu_sc as plsc

NC = 2
NS = 16
NW = NC * NS
DIM = 32
BATCH = 16384
VOCAB = 1000000
B_PER_W = BATCH // NW
CHUNK = 128
NCHUNK = B_PER_W // CHUNK
BLK = 24576
GRID = (VOCAB + BLK - 1) // BLK


def _p1_body(ent_ref, pred_ref, we_ref, wp_ref, ys_ref, yo_ref, yp_ref):
    eo = jnp.dot(we_ref[...], ent_ref[...], preferred_element_type=jnp.float32)
    ys_ref[...] = eo[0]
    yo_ref[...] = eo[1]
    yp_ref[...] = jnp.dot(wp_ref[...], pred_ref[...],
                          preferred_element_type=jnp.float32)[0]


def _sc_body(ids_hbm, ys_hbm, yp_hbm, yo_hbm, wb_hbm, out_hbm,
             sidx, pidx, oidx, gs, gp, go, scores, wv, sem):
    wid = lax.axis_index("s") * NC + lax.axis_index("c")
    base = wid * B_PER_W

    pltpu.sync_copy(ids_hbm.at[0, wid], sidx)
    pltpu.sync_copy(ids_hbm.at[1, wid], pidx)
    pltpu.sync_copy(ids_hbm.at[2, wid], oidx)
    pltpu.sync_copy(wb_hbm, wv)

    descs = []
    for k in range(NCHUNK):
        dst = pl.ds(k * CHUNK, CHUNK)
        descs.append(pltpu.async_copy(ys_hbm.at[sidx.at[k]], gs.at[dst], sem))
        descs.append(pltpu.async_copy(yp_hbm.at[pidx.at[k]], gp.at[dst], sem))
        descs.append(pltpu.async_copy(yo_hbm.at[oidx.at[k]], go.at[dst], sem))
    for d in descs:
        d.wait()

    bias = wv[pl.ds(0, 16)][0]
    for v in range(B_PER_W // 16):
        sl = pl.ds(v * 16, 16)
        scores[sl] = gs[sl] + gp[sl] + go[sl] + bias

    pltpu.sync_copy(scores, out_hbm.at[pl.ds(base, B_PER_W)])


@jax.jit
def _triple_score(ids_r, ent_t, pred_t, we, wp, wb):
    ys, yo, yp = pl.pallas_call(
        _p1_body,
        grid=(GRID,),
        in_specs=[
            pl.BlockSpec((DIM, BLK), lambda i: (0, i)),
            pl.BlockSpec((DIM, BLK), lambda i: (0, i)),
            pl.BlockSpec((2, DIM), lambda i: (0, 0)),
            pl.BlockSpec((1, DIM), lambda i: (0, 0)),
        ],
        out_specs=[
            pl.BlockSpec((BLK,), lambda i: (i,)),
            pl.BlockSpec((BLK,), lambda i: (i,)),
            pl.BlockSpec((BLK,), lambda i: (i,)),
        ],
        out_shape=[
            jax.ShapeDtypeStruct((VOCAB,), jnp.float32),
            jax.ShapeDtypeStruct((VOCAB,), jnp.float32),
            jax.ShapeDtypeStruct((VOCAB,), jnp.float32),
        ],
    )(ent_t, pred_t, we, wp)

    mesh = plsc.VectorSubcoreMesh(core_axis_name="c", subcore_axis_name="s")
    f = functools.partial(
        pl.kernel,
        out_type=jax.ShapeDtypeStruct((BATCH,), jnp.float32),
        mesh=mesh,
        scratch_types=[
            pltpu.VMEM((NCHUNK, CHUNK), jnp.int32),
            pltpu.VMEM((NCHUNK, CHUNK), jnp.int32),
            pltpu.VMEM((NCHUNK, CHUNK), jnp.int32),
            pltpu.VMEM((B_PER_W,), jnp.float32),
            pltpu.VMEM((B_PER_W,), jnp.float32),
            pltpu.VMEM((B_PER_W,), jnp.float32),
            pltpu.VMEM((B_PER_W,), jnp.float32),
            pltpu.VMEM((16,), jnp.float32),
            pltpu.SemaphoreType.DMA,
        ],
        compiler_params=pltpu.CompilerParams(
            needs_layout_passes=False, use_tc_tiling_on_sc=False),
    )(_sc_body)
    return f(ids_r, ys, yp, yo, wb)


def kernel(triple_ids, entity_emb, pred_emb, W, b):
    if triple_ids.ndim == 1:
        triple_ids = triple_ids[None, :]
    ids_r = triple_ids.T.astype(jnp.int32).reshape(3, NW, NCHUNK, CHUNK)
    w3 = W.reshape(3, DIM)
    we = jnp.stack([w3[0], w3[2]])
    wp = w3[1].reshape(1, DIM)
    wb = jnp.broadcast_to(b.reshape(1), (16,)).astype(jnp.float32)
    return _triple_score(ids_r, entity_emb.T, pred_emb.T, we, wp, wb)

# --- scband reference (transcript-rebuilt; emitter-appended) ---
"""Pipeline reference for scband-triple-scoring-model-72146860638333 (READ-ONLY COPY).

The authoritative reference and input builder live on the scoring server;
editing this copy changes nothing except your own understanding.
"""

import jax, jax.numpy as jnp
import numpy as np

VOCAB = 1000000
PRED = 1000000
DIM = 32
BATCH = 16384


def setup_inputs(seed: int = 0) -> dict:
    key = jax.random.key(seed)
    k1, k2, k3, k4, k5 = jax.random.split(key, 5)
    triple_ids = jax.random.randint(k1, (BATCH, 3), 0, VOCAB)
    entity_emb = jax.random.normal(k2, (VOCAB, DIM), dtype=jnp.float32)
    pred_emb = jax.random.normal(k3, (PRED, DIM), dtype=jnp.float32)
    # nn.Linear(3*DIM, 1): weight [1, 3*DIM], bias [1]; store as W [3*DIM, 1]
    bound = 1.0 / np.sqrt(3 * DIM)
    W = jax.random.uniform(k4, (3 * DIM, 1), dtype=jnp.float32, minval=-bound, maxval=bound)
    b = jax.random.uniform(k5, (1,), dtype=jnp.float32, minval=-bound, maxval=bound)
    return {"triple_ids": triple_ids, "entity_emb": entity_emb, "pred_emb": pred_emb, "W": W, "b": b}


def reference(triple_ids, entity_emb, pred_emb, W, b):
    if triple_ids.ndim == 1:
        triple_ids = triple_ids[None, :]
    subj = triple_ids[:, 0]
    pred = triple_ids[:, 1]
    obj = triple_ids[:, 2]
    s_emb = jnp.take(entity_emb, subj, axis=0)
    p_emb = jnp.take(pred_emb, pred, axis=0)
    o_emb = jnp.take(entity_emb, obj, axis=0)
    triple_repr = jnp.concatenate([s_emb, p_emb, o_emb], axis=1)
    scores = triple_repr @ W + b
    return jnp.squeeze(scores)

if __name__ == "__main__":
    import jax
    _d = setup_inputs()
    print(jax.jit(kernel)(*tuple(_d.values())))

</pallas_src>

<mosaic_0001>
#map = affine_map<(d0, d1) -> (0, 0, 0, 0)>
#map1 = affine_map<(d0, d1) -> (0)>
module attributes {stable_mosaic.version = 14 : i64} {
  func.func @_sc_body(%arg0: i32, %arg1: i32, %arg2: memref<3x32x4x128xi32, #tpu.memory_space<hbm>>, %arg3: memref<1000000xf32, #tpu.memory_space<hbm>>, %arg4: memref<1000000xf32, #tpu.memory_space<hbm>>, %arg5: memref<1000000xf32, #tpu.memory_space<hbm>>, %arg6: memref<16xf32, #tpu.memory_space<hbm>>, %arg7: memref<16384xf32, #tpu.memory_space<hbm>>, %arg8: memref<4x128xi32, #tpu.memory_space<vmem>>, %arg9: memref<4x128xi32, #tpu.memory_space<vmem>>, %arg10: memref<4x128xi32, #tpu.memory_space<vmem>>, %arg11: memref<512xf32, #tpu.memory_space<vmem>>, %arg12: memref<512xf32, #tpu.memory_space<vmem>>, %arg13: memref<512xf32, #tpu.memory_space<vmem>>, %arg14: memref<512xf32, #tpu.memory_space<vmem>>, %arg15: memref<16xf32, #tpu.memory_space<vmem>>, %arg16: memref<!tpu.dma_semaphore, #tpu.memory_space<semaphore_mem>>) attributes {dimension_semantics = [#tpu.dimension_semantics<core_parallel>, #tpu.dimension_semantics<subcore_parallel>], iteration_bounds = array<i64: 2, 16>, scalar_prefetch = 0 : i64, scratch_operands = 9 : i64, tpu.core_type = #tpu.core_type<sc_vector_subcore>, window_params = [{transform_indices = #map}, {transform_indices = #map1}, {transform_indices = #map1}, {transform_indices = #map1}, {transform_indices = #map1}, {transform_indices = #map1}]} {
    %mul3A = arith.constant 2 : i32
    %mul3A_0 = arith.muli %arg1, %mul3A : i32
    %add3A = arith.addi %mul3A_0, %arg0 : i32
    %mul3A_1 = arith.constant 512 : i32
    %mul3A_2 = arith.muli %add3A, %mul3A_1 : i32
    %run_scoped3A = arith.constant 0 : i32
    "tpu.region"() ({
      %run_scoped3A_579 = tpu.sem_alloc : memref<!tpu.dma_semaphore, #tpu.memory_space<semaphore_mem>>
      %dma_start3A_580 = arith.constant 0 : i32
      %dma_start3A_581 = arith.constant 0 : i32
      %dma_start3A_582 = tpu.memref_slice %arg2[%run_scoped3A, %add3A, %dma_start3A_580, %dma_start3A_581] : memref<3x32x4x128xi32, #tpu.memory_space<hbm>> -> memref<1x1x4x128xi32, #tpu.memory_space<hbm>>
      %dma_start3A_583 = tpu.memref_squeeze %dma_start3A_582 : memref<1x1x4x128xi32, #tpu.memory_space<hbm>> -> memref<4x128xi32, #tpu.memory_space<hbm>>
      %dma_start3A_584 = arith.constant 0 : i32
      %dma_start3A_585 = arith.constant 0 : i32
      %dma_start3A_586 = tpu.memref_slice %arg2[%run_scoped3A, %add3A, %dma_start3A_584, %dma_start3A_585] : memref<3x32x4x128xi32, #tpu.memory_space<hbm>> -> memref<1x1x4x128xi32, #tpu.memory_space<hbm>>
      %dma_start3A_587 = tpu.memref_squeeze %dma_start3A_586 : memref<1x1x4x128xi32, #tpu.memory_space<hbm>> -> memref<4x128xi32, #tpu.memory_space<hbm>>
      tpu.enqueue_dma source(%dma_start3A_587 : memref<4x128xi32, #tpu.memory_space<hbm>>) target(%arg8 : memref<4x128xi32, #tpu.memory_space<vmem>>) target_semaphore(%run_scoped3A_579 : memref<!tpu.dma_semaphore, #tpu.memory_space<semaphore_mem>>)
      %dma_wait3A_588 = arith.constant 0 : i32
      %dma_wait3A_589 = arith.constant 0 : i32
      %dma_wait3A_590 = tpu.memref_slice %arg2[%run_scoped3A, %add3A, %dma_wait3A_588, %dma_wait3A_589] : memref<3x32x4x128xi32, #tpu.memory_space<hbm>> -> memref<1x1x4x128xi32, #tpu.memory_space<hbm>>
      %dma_wait3A_591 = tpu.memref_squeeze %dma_wait3A_590 : memref<1x1x4x128xi32, #tpu.memory_space<hbm>> -> memref<4x128xi32, #tpu.memory_space<hbm>>
      %dma_wait3A_592 = arith.constant 0 : i32
      %dma_wait3A_593 = arith.constant 0 : i32
      %dma_wait3A_594 = tpu.memref_slice %arg2[%run_scoped3A, %add3A, %dma_wait3A_592, %dma_wait3A_593] : memref<3x32x4x128xi32, #tpu.memory_space<hbm>> -> memref<1x1x4x128xi32, #tpu.memory_space<hbm>>
      %dma_wait3A_595 = tpu.memref_squeeze %dma_wait3A_594 : memref<1x1x4x128xi32, #tpu.memory_space<hbm>> -> memref<4x128xi32, #tpu.memory_space<hbm>>
      tpu.wait_dma2 semaphore(%run_scoped3A_579 : memref<!tpu.dma_semaphore, #tpu.memory_space<semaphore_mem>>) src(%dma_wait3A_595 : memref<4x128xi32, #tpu.memory_space<hbm>>) dst(%arg8 : memref<4x128xi32, #tpu.memory_space<vmem>>)
      tpu.yield
    }) : () -> ()
    %run_scoped3A_3 = arith.constant 1 : i32
    "tpu.region"() ({
      %run_scoped3A_579 = tpu.sem_alloc : memref<!tpu.dma_semaphore, #tpu.memory_space<semaphore_mem>>
      %dma_start3A_580 = arith.constant 0 : i32
      %dma_start3A_581 = arith.constant 0 : i32
      %dma_start3A_582 = tpu.memref_slice %arg2[%run_scoped3A_3, %add3A, %dma_start3A_580, %dma_start3A_581] : memref<3x32x4x128xi32, #tpu.memory_space<hbm>> -> memref<1x1x4x128xi32, #tpu.memory_space<hbm>>
      %dma_start3A_583 = tpu.memref_squeeze %dma_start3A_582 : memref<1x1x4x128xi32, #tpu.memory_space<hbm>> -> memref<4x128xi32, #tpu.memory_space<hbm>>
      %dma_start3A_584 = arith.constant 0 : i32
      %dma_start3A_585 = arith.constant 0 : i32
      %dma_start3A_586 = tpu.memref_slice %arg2[%run_scoped3A_3, %add3A, %dma_start3A_584, %dma_start3A_585] : memref<3x32x4x128xi32, #tpu.memory_space<hbm>> -> memref<1x1x4x128xi32, #tpu.memory_space<hbm>>
      %dma_start3A_587 = tpu.memref_squeeze %dma_start3A_586 : memref<1x1x4x128xi32, #tpu.memory_space<hbm>> -> memref<4x128xi32, #tpu.memory_space<hbm>>
      tpu.enqueue_dma source(%dma_start3A_587 : memref<4x128xi32, #tpu.memory_space<hbm>>) target(%arg9 : memref<4x128xi32, #tpu.memory_space<vmem>>) target_semaphore(%run_scoped3A_579 : memref<!tpu.dma_semaphore, #tpu.memory_space<semaphore_mem>>)
      %dma_wait3A_588 = arith.constant 0 : i32
      %dma_wait3A_589 = arith.constant 0 : i32
      %dma_wait3A_590 = tpu.memref_slice %arg2[%run_scoped3A_3, %add3A, %dma_wait3A_588, %dma_wait3A_589] : memref<3x32x4x128xi32, #tpu.memory_space<hbm>> -> memref<1x1x4x128xi32, #tpu.memory_space<hbm>>
      %dma_wait3A_591 = tpu.memref_squeeze %dma_wait3A_590 : memref<1x1x4x128xi32, #tpu.memory_space<hbm>> -> memref<4x128xi32, #tpu.memory_space<hbm>>
      %dma_wait3A_592 = arith.constant 0 : i32
      %dma_wait3A_593 = arith.constant 0 : i32
      %dma_wait3A_594 = tpu.memref_slice %arg2[%run_scoped3A_3, %add3A, %dma_wait3A_592, %dma_wait3A_593] : memref<3x32x4x128xi32, #tpu.memory_space<hbm>> -> memref<1x1x4x128xi32, #tpu.memory_space<hbm>>
      %dma_wait3A_595 = tpu.memref_squeeze %dma_wait3A_594 : memref<1x1x4x128xi32, #tpu.memory_space<hbm>> -> memref<4x128xi32, #tpu.memory_space<hbm>>
      tpu.wait_dma2 semaphore(%run_scoped3A_579 : memref<!tpu.dma_semaphore, #tpu.memory_space<semaphore_mem>>) src(%dma_wait3A_595 : memref<4x128xi32, #tpu.memory_space<hbm>>) dst(%arg9 : memref<4x128xi32, #tpu.memory_space<vmem>>)
      tpu.yield
    }) : () -> ()
    %run_scoped3A_4 = arith.constant 2 : i32
    "tpu.region"() ({
      %run_scoped3A_579 = tpu.sem_alloc : memref<!tpu.dma_semaphore, #tpu.memory_space<semaphore_mem>>
      %dma_start3A_580 = arith.constant 0 : i32
      %dma_start3A_581 = arith.constant 0 : i32
      %dma_start3A_582 = tpu.memref_slice %arg2[%run_scoped3A_4, %add3A, %dma_start3A_580, %dma_start3A_581] : memref<3x32x4x128xi32, #tpu.memory_space<hbm>> -> memref<1x1x4x128xi32, #tpu.memory_space<hbm>>
      %dma_start3A_583 = tpu.memref_squeeze %dma_start3A_582 : memref<1x1x4x128xi32, #tpu.memory_space<hbm>> -> memref<4x128xi32, #tpu.memory_space<hbm>>
      %dma_start3A_584 = arith.constant 0 : i32
      %dma_start3A_585 = arith.constant 0 : i32
      %dma_start3A_586 = tpu.memref_slice %arg2[%run_scoped3A_4, %add3A, %dma_start3A_584, %dma_start3A_585] : memref<3x32x4x128xi32, #tpu.memory_space<hbm>> -> memref<1x1x4x128xi32, #tpu.memory_space<hbm>>
      %dma_start3A_587 = tpu.memref_squeeze %dma_start3A_586 : memref<1x1x4x128xi32, #tpu.memory_space<hbm>> -> memref<4x128xi32, #tpu.memory_space<hbm>>
      tpu.enqueue_dma source(%dma_start3A_587 : memref<4x128xi32, #tpu.memory_space<hbm>>) target(%arg10 : memref<4x128xi32, #tpu.memory_space<vmem>>) target_semaphore(%run_scoped3A_579 : memref<!tpu.dma_semaphore, #tpu.memory_space<semaphore_mem>>)
      %dma_wait3A_588 = arith.constant 0 : i32
      %dma_wait3A_589 = arith.constant 0 : i32
      %dma_wait3A_590 = tpu.memref_slice %arg2[%run_scoped3A_4, %add3A, %dma_wait3A_588, %dma_wait3A_589] : memref<3x32x4x128xi32, #tpu.memory_space<hbm>> -> memref<1x1x4x128xi32, #tpu.memory_space<hbm>>
      %dma_wait3A_591 = tpu.memref_squeeze %dma_wait3A_590 : memref<1x1x4x128xi32, #tpu.memory_space<hbm>> -> memref<4x128xi32, #tpu.memory_space<hbm>>
      %dma_wait3A_592 = arith.constant 0 : i32
      %dma_wait3A_593 = arith.constant 0 : i32
      %dma_wait3A_594 = tpu.memref_slice %arg2[%run_scoped3A_4, %add3A, %dma_wait3A_592, %dma_wait3A_593] : memref<3x32x4x128xi32, #tpu.memory_space<hbm>> -> memref<1x1x4x128xi32, #tpu.memory_space<hbm>>
      %dma_wait3A_595 = tpu.memref_squeeze %dma_wait3A_594 : memref<1x1x4x128xi32, #tpu.memory_space<hbm>> -> memref<4x128xi32, #tpu.memory_space<hbm>>
      tpu.wait_dma2 semaphore(%run_scoped3A_579 : memref<!tpu.dma_semaphore, #tpu.memory_space<semaphore_mem>>) src(%dma_wait3A_595 : memref<4x128xi32, #tpu.memory_space<hbm>>) dst(%arg10 : memref<4x128xi32, #tpu.memory_space<vmem>>)
      tpu.yield
    }) : () -> ()
    "tpu.region"() ({
      %run_scoped3A_579 = tpu.sem_alloc : memref<!tpu.dma_semaphore, #tpu.memory_space<semaphore_mem>>
      tpu.enqueue_dma source(%arg6 : memref<16xf32, #tpu.memory_space<hbm>>) target(%arg15 : memref<16xf32, #tpu.memory_space<vmem>>) target_semaphore(%run_scoped3A_579 : memref<!tpu.dma_semaphore, #tpu.memory_space<semaphore_mem>>)
      tpu.wait_dma2 semaphore(%run_scoped3A_579 : memref<!tpu.dma_semaphore, #tpu.memory_space<semaphore_mem>>) src(%arg6 : memref<16xf32, #tpu.memory_space<hbm>>) dst(%arg15 : memref<16xf32, #tpu.memory_space<vmem>>)
      tpu.yield
    }) : () -> ()
    %dma_start3A = arith.constant 0 : i32
    %dma_start3A_5 = arith.constant 0 : i32
    %dma_start3A_6 = tpu.memref_slice %arg11[%dma_start3A_5] : memref<512xf32, #tpu.memory_space<vmem>> -> memref<128xf32, #tpu.memory_space<vmem>>
    %dma_start3A_7 = arith.constant 0 : i32
    %dma_start3A_8 = tpu.memref_slice %arg8[%dma_start3A, %dma_start3A_7] : memref<4x128xi32, #tpu.memory_space<vmem>> -> memref<1x128xi32, #tpu.memory_space<vmem>>
    %dma_start3A_9 = tpu.memref_squeeze %dma_start3A_8 : memref<1x128xi32, #tpu.memory_space<vmem>> -> memref<128xi32, #tpu.memory_space<vmem>>
    %dma_start3A_10 = arith.constant 0 : i32
    %dma_start3A_11 = tpu.memref_slice %arg3[%dma_start3A_10] : memref<1000000xf32, #tpu.memory_space<hbm>> -> memref<1000000xf32, #tpu.memory_space<hbm>>
    tpu.enqueue_indirect_dma source(%dma_start3A_11 : memref<1000000xf32, #tpu.memory_space<hbm>>) target(%dma_start3A_6 : memref<128xf32, #tpu.memory_space<vmem>>) offsets(%dma_start3A_9 : memref<128xi32, #tpu.memory_space<vmem>>) semaphore(%arg16 : memref<!tpu.dma_semaphore, #tpu.memory_space<semaphore_mem>>)
    %dma_start3A_12 = arith.constant 0 : i32
    %dma_start3A_13 = arith.constant 0 : i32
    %dma_start3A_14 = tpu.memref_slice %arg12[%dma_start3A_13] : memref<512xf32, #tpu.memory_space<vmem>> -> memref<128xf32, #tpu.memory_space<vmem>>
    %dma_start3A_15 = arith.constant 0 : i32
    %dma_start3A_16 = tpu.memref_slice %arg9[%dma_start3A_12, %dma_start3A_15] : memref<4x128xi32, #tpu.memory_space<vmem>> -> memref<1x128xi32, #tpu.memory_space<vmem>>
    %dma_start3A_17 = tpu.memref_squeeze %dma_start3A_16 : memref<1x128xi32, #tpu.memory_space<vmem>> -> memref<128xi32, #tpu.memory_space<vmem>>
    %dma_start3A_18 = arith.constant 0 : i32
    %dma_start3A_19 = tpu.memref_slice %arg4[%dma_start3A_18] : memref<1000000xf32, #tpu.memory_space<hbm>> -> memref<1000000xf32, #tpu.memory_space<hbm>>
    tpu.enqueue_indirect_dma source(%dma_start3A_19 : memref<1000000xf32, #tpu.memory_space<hbm>>) target(%dma_start3A_14 : memref<128xf32, #tpu.memory_space<vmem>>) offsets(%dma_start3A_17 : memref<128xi32, #tpu.memory_space<vmem>>) semaphore(%arg16 : memref<!tpu.dma_semaphore, #tpu.memory_space<semaphore_mem>>)
    %dma_start3A_20 = arith.constant 0 : i32
    %dma_start3A_21 = arith.constant 0 : i32
    %dma_start3A_22 = tpu.memref_slice %arg13[%dma_start3A_21] : memref<512xf32, #tpu.memory_space<vmem>> -> memref<128xf32, #tpu.memory_space<vmem>>
    %dma_start3A_23 = arith.constant 0 : i32
    %dma_start3A_24 = tpu.memref_slice %arg10[%dma_start3A_20, %dma_start3A_23] : memref<4x128xi32, #tpu.memory_space<vmem>> -> memref<1x128xi32, #tpu.memory_space<vmem>>
    %dma_start3A_25 = tpu.memref_squeeze %dma_start3A_24 : memref<1x128xi32, #tpu.memory_space<vmem>> -> memref<128xi32, #tpu.memory_space<vmem>>
    %dma_start3A_26 = arith.constant 0 : i32
    %dma_start3A_27 = tpu.memref_slice %arg5[%dma_start3A_26] : memref<1000000xf32, #tpu.memory_space<hbm>> -> memref<1000000xf32, #tpu.memory_space<hbm>>
    tpu.enqueue_indirect_dma source(%dma_start3A_27 : memref<1000000xf32, #tpu.memory_space<hbm>>) target(%dma_start3A_22 : memref<128xf32, #tpu.memory_space<vmem>>) offsets(%dma_start3A_25 : memref<128xi32, #tpu.memory_space<vmem>>) semaphore(%arg16 : memref<!tpu.dma_semaphore, #tpu.memory_space<semaphore_mem>>)
    %dma_start3A_28 = arith.constant 1 : i32
    %dma_start3A_29 = arith.constant 128 : i32
    %dma_start3A_30 = tpu.memref_slice %arg11[%dma_start3A_29] : memref<512xf32, #tpu.memory_space<vmem>> -> memref<128xf32, #tpu.memory_space<vmem>>
    %dma_start3A_31 = arith.constant 0 : i32
    %dma_start3A_32 = tpu.memref_slice %arg8[%dma_start3A_28, %dma_start3A_31] : memref<4x128xi32, #tpu.memory_space<vmem>> -> memref<1x128xi32, #tpu.memory_space<vmem>>
    %dma_start3A_33 = tpu.memref_squeeze %dma_start3A_32 : memref<1x128xi32, #tpu.memory_space<vmem>> -> memref<128xi32, #tpu.memory_space<vmem>>
    %dma_start3A_34 = arith.constant 0 : i32
    %dma_start3A_35 = tpu.memref_slice %arg3[%dma_start3A_34] : memref<1000000xf32, #tpu.memory_space<hbm>> -> memref<1000000xf32, #tpu.memory_space<hbm>>
    tpu.enqueue_indirect_dma source(%dma_start3A_35 : memref<1000000xf32, #tpu.memory_space<hbm>>) target(%dma_start3A_30 : memref<128xf32, #tpu.memory_space<vmem>>) offsets(%dma_start3A_33 : memref<128xi32, #tpu.memory_space<vmem>>) semaphore(%arg16 : memref<!tpu.dma_semaphore, #tpu.memory_space<semaphore_mem>>)
    %dma_start3A_36 = arith.constant 1 : i32
    %dma_start3A_37 = arith.constant 128 : i32
    %dma_start3A_38 = tpu.memref_slice %arg12[%dma_start3A_37] : memref<512xf32, #tpu.memory_space<vmem>> -> memref<128xf32, #tpu.memory_space<vmem>>
    %dma_start3A_39 = arith.constant 0 : i32
    %dma_start3A_40 = tpu.memref_slice %arg9[%dma_start3A_36, %dma_start3A_39] : memref<4x128xi32, #tpu.memory_space<vmem>> -> memref<1x128xi32, #tpu.memory_space<vmem>>
    %dma_start3A_41 = tpu.memref_squeeze %dma_start3A_40 : memref<1x128xi32, #tpu.memory_space<vmem>> -> memref<128xi32, #tpu.memory_space<vmem>>
    %dma_start3A_42 = arith.constant 0 : i32
    %dma_start3A_43 = tpu.memref_slice %arg4[%dma_start3A_42] : memref<1000000xf32, #tpu.memory_space<hbm>> -> memref<1000000xf32, #tpu.memory_space<hbm>>
    tpu.enqueue_indirect_dma source(%dma_start3A_43 : memref<1000000xf32, #tpu.memory_space<hbm>>) target(%dma_start3A_38 : memref<128xf32, #tpu.memory_space<vmem>>) offsets(%dma_start3A_41 : memref<128xi32, #tpu.memory_space<vmem>>) semaphore(%arg16 : memref<!tpu.dma_semaphore, #tpu.memory_space<semaphore_mem>>)
    %dma_start3A_44 = arith.constant 1 : i32
    %dma_start3A_45 = arith.constant 128 : i32
    %dma_start3A_46 = tpu.memref_slice %arg13[%dma_start3A_45] : memref<512xf32, #tpu.memory_space<vmem>> -> memref<128xf32, #tpu.memory_space<vmem>>
    %dma_start3A_47 = arith.constant 0 : i32
    %dma_start3A_48 = tpu.memref_slice %arg10[%dma_start3A_44, %dma_start3A_47] : memref<4x128xi32, #tpu.memory_space<vmem>> -> memref<1x128xi32, #tpu.memory_space<vmem>>
    %dma_start3A_49 = tpu.memref_squeeze %dma_start3A_48 : memref<1x128xi32, #tpu.memory_space<vmem>> -> memref<128xi32, #tpu.memory_space<vmem>>
    %dma_start3A_50 = arith.constant 0 : i32
    %dma_start3A_51 = tpu.memref_slice %arg5[%dma_start3A_50] : memref<1000000xf32, #tpu.memory_space<hbm>> -> memref<1000000xf32, #tpu.memory_space<hbm>>
    tpu.enqueue_indirect_dma source(%dma_start3A_51 : memref<1000000xf32, #tpu.memory_space<hbm>>) target(%dma_start3A_46 : memref<128xf32, #tpu.memory_space<vmem>>) offsets(%dma_start3A_49 : memref<128xi32, #tpu.memory_space<vmem>>) semaphore(%arg16 : memref<!tpu.dma_semaphore, #tpu.memory_space<semaphore_mem>>)
    %dma_start3A_52 = arith.constant 2 : i32
    %dma_start3A_53 = arith.constant 256 : i32
    %dma_start3A_54 = tpu.memref_slice %arg11[%dma_start3A_53] : memref<512xf32, #tpu.memory_space<vmem>> -> memref<128xf32, #tpu.memory_space<vmem>>
    %dma_start3A_55 = arith.constant 0 : i32
    %dma_start3A_56 = tpu.memref_slice %arg8[%dma_start3A_52, %dma_start3A_55] : memref<4x128xi32, #tpu.memory_space<vmem>> -> memref<1x128xi32, #tpu.memory_space<vmem>>
    %dma_start3A_57 = tpu.memref_squeeze %dma_start3A_56 : memref<1x128xi32, #tpu.memory_space<vmem>> -> memref<128xi32, #tpu.memory_space<vmem>>
    %dma_start3A_58 = arith.constant 0 : i32
    %dma_start3A_59 = tpu.memref_slice %arg3[%dma_start3A_58] : memref<1000000xf32, #tpu.memory_space<hbm>> -> memref<1000000xf32, #tpu.memory_space<hbm>>
    tpu.enqueue_indirect_dma source(%dma_start3A_59 : memref<1000000xf32, #tpu.memory_space<hbm>>) target(%dma_start3A_54 : memref<128xf32, #tpu.memory_space<vmem>>) offsets(%dma_start3A_57 : memref<128xi32, #tpu.memory_space<vmem>>) semaphore(%arg16 : memref<!tpu.dma_semaphore, #tpu.memory_space<semaphore_mem>>)
    %dma_start3A_60 = arith.constant 2 : i32
    %dma_start3A_61 = arith.constant 256 : i32
    %dma_start3A_62 = tpu.memref_slice %arg12[%dma_start3A_61] : memref<512xf32, #tpu.memory_space<vmem>> -> memref<128xf32, #tpu.memory_space<vmem>>
    %dma_start3A_63 = arith.constant 0 : i32
    %dma_start3A_64 = tpu.memref_slice %arg9[%dma_start3A_60, %dma_start3A_63] : memref<4x128xi32, #tpu.memory_space<vmem>> -> memref<1x128xi32, #tpu.memory_space<vmem>>
    %dma_start3A_65 = tpu.memref_squeeze %dma_start3A_64 : memref<1x128xi32, #tpu.memory_space<vmem>> -> memref<128xi32, #tpu.memory_space<vmem>>
    %dma_start3A_66 = arith.constant 0 : i32
    %dma_start3A_67 = tpu.memref_slice %arg4[%dma_start3A_66] : memref<1000000xf32, #tpu.memory_space<hbm>> -> memref<1000000xf32, #tpu.memory_space<hbm>>
    tpu.enqueue_indirect_dma source(%dma_start3A_67 : memref<1000000xf32, #tpu.memory_space<hbm>>) target(%dma_start3A_62 : memref<128xf32, #tpu.memory_space<vmem>>) offsets(%dma_start3A_65 : memref<128xi32, #tpu.memory_space<vmem>>) semaphore(%arg16 : memref<!tpu.dma_semaphore, #tpu.memory_space<semaphore_mem>>)
    %dma_start3A_68 = arith.constant 2 : i32
    %dma_start3A_69 = arith.constant 256 : i32
    %dma_start3A_70 = tpu.memref_slice %arg13[%dma_start3A_69] : memref<512xf32, #tpu.memory_space<vmem>> -> memref<128xf32, #tpu.memory_space<vmem>>
    %dma_start3A_71 = arith.constant 0 : i32
    %dma_start3A_72 = tpu.memref_slice %arg10[%dma_start3A_68, %dma_start3A_71] : memref<4x128xi32, #tpu.memory_space<vmem>> -> memref<1x128xi32, #tpu.memory_space<vmem>>
    %dma_start3A_73 = tpu.memref_squeeze %dma_start3A_72 : memref<1x128xi32, #tpu.memory_space<vmem>> -> memref<128xi32, #tpu.memory_space<vmem>>
    %dma_start3A_74 = arith.constant 0 : i32
    %dma_start3A_75 = tpu.memref_slice %arg5[%dma_start3A_74] : memref<1000000xf32, #tpu.memory_space<hbm>> -> memref<1000000xf32, #tpu.memory_space<hbm>>
    tpu.enqueue_indirect_dma source(%dma_start3A_75 : memref<1000000xf32, #tpu.memory_space<hbm>>) target(%dma_start3A_70 : memref<128xf32, #tpu.memory_space<vmem>>) offsets(%dma_start3A_73 : memref<128xi32, #tpu.memory_space<vmem>>) semaphore(%arg16 : memref<!tpu.dma_semaphore, #tpu.memory_space<semaphore_mem>>)
    %dma_start3A_76 = arith.constant 3 : i32
    %dma_start3A_77 = arith.constant 384 : i32
    %dma_start3A_78 = tpu.memref_slice %arg11[%dma_start3A_77] : memref<512xf32, #tpu.memory_space<vmem>> -> memref<128xf32, #tpu.memory_space<vmem>>
    %dma_start3A_79 = arith.constant 0 : i32
    %dma_start3A_80 = tpu.memref_slice %arg8[%dma_start3A_76, %dma_start3A_79] : memref<4x128xi32, #tpu.memory_space<vmem>> -> memref<1x128xi32, #tpu.memory_space<vmem>>
    %dma_start3A_81 = tpu.memref_squeeze %dma_start3A_80 : memref<1x128xi32, #tpu.memory_space<vmem>> -> memref<128xi32, #tpu.memory_space<vmem>>
    %dma_start3A_82 = arith.constant 0 : i32
    %dma_start3A_83 = tpu.memref_slice %arg3[%dma_start3A_82] : memref<1000000xf32, #tpu.memory_space<hbm>> -> memref<1000000xf32, #tpu.memory_space<hbm>>
    tpu.enqueue_indirect_dma source(%dma_start3A_83 : memref<1000000xf32, #tpu.memory_space<hbm>>) target(%dma_start3A_78 : memref<128xf32, #tpu.memory_space<vmem>>) offsets(%dma_start3A_81 : memref<128xi32, #tpu.memory_space<vmem>>) semaphore(%arg16 : memref<!tpu.dma_semaphore, #tpu.memory_space<semaphore_mem>>)
    %dma_start3A_84 = arith.constant 3 : i32
    %dma_start3A_85 = arith.constant 384 : i32
    %dma_start3A_86 = tpu.memref_slice %arg12[%dma_start3A_85] : memref<512xf32, #tpu.memory_space<vmem>> -> memref<128xf32, #tpu.memory_space<vmem>>
    %dma_start3A_87 = arith.constant 0 : i32
    %dma_start3A_88 = tpu.memref_slice %arg9[%dma_start3A_84, %dma_start3A_87] : memref<4x128xi32, #tpu.memory_space<vmem>> -> memref<1x128xi32, #tpu.memory_space<vmem>>
    %dma_start3A_89 = tpu.memref_squeeze %dma_start3A_88 : memref<1x128xi32, #tpu.memory_space<vmem>> -> memref<128xi32, #tpu.memory_space<vmem>>
    %dma_start3A_90 = arith.constant 0 : i32
    %dma_start3A_91 = tpu.memref_slice %arg4[%dma_start3A_90] : memref<1000000xf32, #tpu.memory_space<hbm>> -> memref<1000000xf32, #tpu.memory_space<hbm>>
    tpu.enqueue_indirect_dma source(%dma_start3A_91 : memref<1000000xf32, #tpu.memory_space<hbm>>) target(%dma_start3A_86 : memref<128xf32, #tpu.memory_space<vmem>>) offsets(%dma_start3A_89 : memref<128xi32, #tpu.memory_space<vmem>>) semaphore(%arg16 : memref<!tpu.dma_semaphore, #tpu.memory_space<semaphore_mem>>)
    %dma_start3A_92 = arith.constant 3 : i32
    %dma_start3A_93 = arith.constant 384 : i32
    %dma_start3A_94 = tpu.memref_slice %arg13[%dma_start3A_93] : memref<512xf32, #tpu.memory_space<vmem>> -> memref<128xf32, #tpu.memory_space<vmem>>
    %dma_start3A_95 = arith.constant 0 : i32
    %dma_start3A_96 = tpu.memref_slice %arg10[%dma_start3A_92, %dma_start3A_95] : memref<4x128xi32, #tpu.memory_space<vmem>> -> memref<1x128xi32, #tpu.memory_space<vmem>>
    %dma_start3A_97 = tpu.memref_squeeze %dma_start3A_96 : memref<1x128xi32, #tpu.memory_space<vmem>> -> memref<128xi32, #tpu.memory_space<vmem>>
    %dma_start3A_98 = arith.constant 0 : i32
    %dma_start3A_99 = tpu.memref_slice %arg5[%dma_start3A_98] : memref<1000000xf32, #tpu.memory_space<hbm>> -> memref<1000000xf32, #tpu.memory_space<hbm>>
    tpu.enqueue_indirect_dma source(%dma_start3A_99 : memref<1000000xf32, #tpu.memory_space<hbm>>) target(%dma_start3A_94 : memref<128xf32, #tpu.memory_space<vmem>>) offsets(%dma_start3A_97 : memref<128xi32, #tpu.memory_space<vmem>>) semaphore(%arg16 : memref<!tpu.dma_semaphore, #tpu.memory_space<semaphore_mem>>)
    %dma_wait3A = arith.constant 0 : i32
    %dma_wait3A_100 = arith.constant 0 : i32
    %dma_wait3A_101 = tpu.memref_slice %arg11[%dma_wait3A_100] : memref<512xf32, #tpu.memory_space<vmem>> -> memref<128xf32, #tpu.memory_space<vmem>>
    %dma_wait3A_102 = arith.constant 0 : i32
    %dma_wait3A_103 = tpu.memref_slice %arg8[%dma_wait3A, %dma_wait3A_102] : memref<4x128xi32, #tpu.memory_space<vmem>> -> memref<1x128xi32, #tpu.memory_space<vmem>>
    %dma_wait3A_104 = tpu.memref_squeeze %dma_wait3A_103 : memref<1x128xi32, #tpu.memory_space<vmem>> -> memref<128xi32, #tpu.memory_space<vmem>>
    %dma_wait3A_105 = arith.constant 0 : i32
    %dma_wait3A_106 = tpu.memref_slice %arg3[%dma_wait3A_105] : memref<1000000xf32, #tpu.memory_space<hbm>> -> memref<1000000xf32, #tpu.memory_space<hbm>>
    tpu.wait_indirect_dma semaphore(%arg16 : memref<!tpu.dma_semaphore, #tpu.memory_space<semaphore_mem>>) src(%dma_wait3A_106 : memref<1000000xf32, #tpu.memory_space<hbm>>) dst(%dma_wait3A_101 : memref<128xf32, #tpu.memory_space<vmem>>)
    %dma_wait3A_107 = arith.constant 0 : i32
    %dma_wait3A_108 = arith.constant 0 : i32
    %dma_wait3A_109 = tpu.memref_slice %arg12[%dma_wait3A_108] : memref<512xf32, #tpu.memory_space<vmem>> -> memref<128xf32, #tpu.memory_space<vmem>>
    %dma_wait3A_110 = arith.constant 0 : i32
    %dma_wait3A_111 = tpu.memref_slice %arg9[%dma_wait3A_107, %dma_wait3A_110] : memref<4x128xi32, #tpu.memory_space<vmem>> -> memref<1x128xi32, #tpu.memory_space<vmem>>
    %dma_wait3A_112 = tpu.memref_squeeze %dma_wait3A_111 : memref<1x128xi32, #tpu.memory_space<vmem>> -> memref<128xi32, #tpu.memory_space<vmem>>
    %dma_wait3A_113 = arith.constant 0 : i32
    %dma_wait3A_114 = tpu.memref_slice %arg4[%dma_wait3A_113] : memref<1000000xf32, #tpu.memory_space<hbm>> -> memref<1000000xf32, #tpu.memory_space<hbm>>
    tpu.wait_indirect_dma semaphore(%arg16 : memref<!tpu.dma_semaphore, #tpu.memory_space<semaphore_mem>>) src(%dma_wait3A_114 : memref<1000000xf32, #tpu.memory_space<hbm>>) dst(%dma_wait3A_109 : memref<128xf32, #tpu.memory_space<vmem>>)
    %dma_wait3A_115 = arith.constant 0 : i32
    %dma_wait3A_116 = arith.constant 0 : i32
    %dma_wait3A_117 = tpu.memref_slice %arg13[%dma_wait3A_116] : memref<512xf32, #tpu.memory_space<vmem>> -> memref<128xf32, #tpu.memory_space<vmem>>
    %dma_wait3A_118 = arith.constant 0 : i32
    %dma_wait3A_119 = tpu.memref_slice %arg10[%dma_wait3A_115, %dma_wait3A_118] : memref<4x128xi32, #tpu.memory_space<vmem>> -> memref<1x128xi32, #tpu.memory_space<vmem>>
    %dma_wait3A_120 = tpu.memref_squeeze %dma_wait3A_119 : memref<1x128xi32, #tpu.memory_space<vmem>> -> memref<128xi32, #tpu.memory_space<vmem>>
    %dma_wait3A_121 = arith.constant 0 : i32
    %dma_wait3A_122 = tpu.memref_slice %arg5[%dma_wait3A_121] : memref<1000000xf32, #tpu.memory_space<hbm>> -> memref<1000000xf32, #tpu.memory_space<hbm>>
    tpu.wait_indirect_dma semaphore(%arg16 : memref<!tpu.dma_semaphore, #tpu.memory_space<semaphore_mem>>) src(%dma_wait3A_122 : memref<1000000xf32, #tpu.memory_space<hbm>>) dst(%dma_wait3A_117 : memref<128xf32, #tpu.memory_space<vmem>>)
    %dma_wait3A_123 = arith.constant 1 : i32
    %dma_wait3A_124 = arith.constant 128 : i32
    %dma_wait3A_125 = tpu.memref_slice %arg11[%dma_wait3A_124] : memref<512xf32, #tpu.memory_space<vmem>> -> memref<128xf32, #tpu.memory_space<vmem>>
    %dma_wait3A_126 = arith.constant 0 : i32
    %dma_wait3A_127 = tpu.memref_slice %arg8[%dma_wait3A_123, %dma_wait3A_126] : memref<4x128xi32, #tpu.memory_space<vmem>> -> memref<1x128xi32, #tpu.memory_space<vmem>>
    %dma_wait3A_128 = tpu.memref_squeeze %dma_wait3A_127 : memref<1x128xi32, #tpu.memory_space<vmem>> -> memref<128xi32, #tpu.memory_space<vmem>>
    %dma_wait3A_129 = arith.constant 0 : i32
    %dma_wait3A_130 = tpu.memref_slice %arg3[%dma_wait3A_129] : memref<1000000xf32, #tpu.memory_space<hbm>> -> memref<1000000xf32, #tpu.memory_space<hbm>>
    tpu.wait_indirect_dma semaphore(%arg16 : memref<!tpu.dma_semaphore, #tpu.memory_space<semaphore_mem>>) src(%dma_wait3A_130 : memref<1000000xf32, #tpu.memory_space<hbm>>) dst(%dma_wait3A_125 : memref<128xf32, #tpu.memory_space<vmem>>)
    %dma_wait3A_131 = arith.constant 1 : i32
    %dma_wait3A_132 = arith.constant 128 : i32
    %dma_wait3A_133 = tpu.memref_slice %arg12[%dma_wait3A_132] : memref<512xf32, #tpu.memory_space<vmem>> -> memref<128xf32, #tpu.memory_space<vmem>>
    %dma_wait3A_134 = arith.constant 0 : i32
    %dma_wait3A_135 = tpu.memref_slice %arg9[%dma_wait3A_131, %dma_wait3A_134] : memref<4x128xi32, #tpu.memory_space<vmem>> -> memref<1x128xi32, #tpu.memory_space<vmem>>
    %dma_wait3A_136 = tpu.memref_squeeze %dma_wait3A_135 : memref<1x128xi32, #tpu.memory_space<vmem>> -> memref<128xi32, #tpu.memory_space<vmem>>
    %dma_wait3A_137 = arith.constant 0 : i32
    %dma_wait3A_138 = tpu.memref_slice %arg4[%dma_wait3A_137] : memref<1000000xf32, #tpu.memory_space<hbm>> -> memref<1000000xf32, #tpu.memory_space<hbm>>
    tpu.wait_indirect_dma semaphore(%arg16 : memref<!tpu.dma_semaphore, #tpu.memory_space<semaphore_mem>>) src(%dma_wait3A_138 : memref<1000000xf32, #tpu.memory_space<hbm>>) dst(%dma_wait3A_133 : memref<128xf32, #tpu.memory_space<vmem>>)
    %dma_wait3A_139 = arith.constant 1 : i32
    %dma_wait3A_140 = arith.constant 128 : i32
    %dma_wait3A_141 = tpu.memref_slice %arg13[%dma_wait3A_140] : memref<512xf32, #tpu.memory_space<vmem>> -> memref<128xf32, #tpu.memory_space<vmem>>
    %dma_wait3A_142 = arith.constant 0 : i32
    %dma_wait3A_143 = tpu.memref_slice %arg10[%dma_wait3A_139, %dma_wait3A_142] : memref<4x128xi32, #tpu.memory_space<vmem>> -> memref<1x128xi32, #tpu.memory_space<vmem>>
    %dma_wait3A_144 = tpu.memref_squeeze %dma_wait3A_143 : memref<1x128xi32, #tpu.memory_space<vmem>> -> memref<128xi32, #tpu.memory_space<vmem>>
    %dma_wait3A_145 = arith.constant 0 : i32
    %dma_wait3A_146 = tpu.memref_slice %arg5[%dma_wait3A_145] : memref<1000000xf32, #tpu.memory_space<hbm>> -> memref<1000000xf32, #tpu.memory_space<hbm>>
    tpu.wait_indirect_dma semaphore(%arg16 : memref<!tpu.dma_semaphore, #tpu.memory_space<semaphore_mem>>) src(%dma_wait3A_146 : memref<1000000xf32, #tpu.memory_space<hbm>>) dst(%dma_wait3A_141 : memref<128xf32, #tpu.memory_space<vmem>>)
    %dma_wait3A_147 = arith.constant 2 : i32
    %dma_wait3A_148 = arith.constant 256 : i32
    %dma_wait3A_149 = tpu.memref_slice %arg11[%dma_wait3A_148] : memref<512xf32, #tpu.memory_space<vmem>> -> memref<128xf32, #tpu.memory_space<vmem>>
    %dma_wait3A_150 = arith.constant 0 : i32
    %dma_wait3A_151 = tpu.memref_slice %arg8[%dma_wait3A_147, %dma_wait3A_150] : memref<4x128xi32, #tpu.memory_space<vmem>> -> memref<1x128xi32, #tpu.memory_space<vmem>>
    %dma_wait3A_152 = tpu.memref_squeeze %dma_wait3A_151 : memref<1x128xi32, #tpu.memory_space<vmem>> -> memref<128xi32, #tpu.memory_space<vmem>>
    %dma_wait3A_153 = arith.constant 0 : i32
    %dma_wait3A_154 = tpu.memref_slice %arg3[%dma_wait3A_153] : memref<1000000xf32, #tpu.memory_space<hbm>> -> memref<1000000xf32, #tpu.memory_space<hbm>>
    tpu.wait_indirect_dma semaphore(%arg16 : memref<!tpu.dma_semaphore, #tpu.memory_space<semaphore_mem>>) src(%dma_wait3A_154 : memref<1000000xf32, #tpu.memory_space<hbm>>) dst(%dma_wait3A_149 : memref<128xf32, #tpu.memory_space<vmem>>)
    %dma_wait3A_155 = arith.constant 2 : i32
    %dma_wait3A_156 = arith.constant 256 : i32
    %dma_wait3A_157 = tpu.memref_slice %arg12[%dma_wait3A_156] : memref<512xf32, #tpu.memory_space<vmem>> -> memref<128xf32, #tpu.memory_space<vmem>>
    %dma_wait3A_158 = arith.constant 0 : i32
    %dma_wait3A_159 = tpu.memref_slice %arg9[%dma_wait3A_155, %dma_wait3A_158] : memref<4x128xi32, #tpu.memory_space<vmem>> -> memref<1x128xi32, #tpu.memory_space<vmem>>
    %dma_wait3A_160 = tpu.memref_squeeze %dma_wait3A_159 : memref<1x128xi32, #tpu.memory_space<vmem>> -> memref<128xi32, #tpu.memory_space<vmem>>
    %dma_wait3A_161 = arith.constant 0 : i32
    %dma_wait3A_162 = tpu.memref_slice %arg4[%dma_wait3A_161] : memref<1000000xf32, #tpu.memory_space<hbm>> -> memref<1000000xf32, #tpu.memory_space<hbm>>
    tpu.wait_indirect_dma semaphore(%arg16 : memref<!tpu.dma_semaphore, #tpu.memory_space<semaphore_mem>>) src(%dma_wait3A_162 : memref<1000000xf32, #tpu.memory_space<hbm>>) dst(%dma_wait3A_157 : memref<128xf32, #tpu.memory_space<vmem>>)
    %dma_wait3A_163 = arith.constant 2 : i32
    %dma_wait3A_164 = arith.constant 256 : i32
    %dma_wait3A_165 = tpu.memref_slice %arg13[%dma_wait3A_164] : memref<512xf32, #tpu.memory_space<vmem>> -> memref<128xf32, #tpu.memory_space<vmem>>
    %dma_wait3A_166 = arith.constant 0 : i32
    %dma_wait3A_167 = tpu.memref_slice %arg10[%dma_wait3A_163, %dma_wait3A_166] : memref<4x128xi32, #tpu.memory_space<vmem>> -> memref<1x128xi32, #tpu.memory_space<vmem>>
    %dma_wait3A_168 = tpu.memref_squeeze %dma_wait3A_167 : memref<1x128xi32, #tpu.memory_space<vmem>> -> memref<128xi32, #tpu.memory_space<vmem>>
    %dma_wait3A_169 = arith.constant 0 : i32
    %dma_wait3A_170 = tpu.memref_slice %arg5[%dma_wait3A_169] : memref<1000000xf32, #tpu.memory_space<hbm>> -> memref<1000000xf32, #tpu.memory_space<hbm>>
    tpu.wait_indirect_dma semaphore(%arg16 : memref<!tpu.dma_semaphore, #tpu.memory_space<semaphore_mem>>) src(%dma_wait3A_170 : memref<1000000xf32, #tpu.memory_space<hbm>>) dst(%dma_wait3A_165 : memref<128xf32, #tpu.memory_space<vmem>>)
    %dma_wait3A_171 = arith.constant 3 : i32
    %dma_wait3A_172 = arith.constant 384 : i32
    %dma_wait3A_173 = tpu.memref_slice %arg11[%dma_wait3A_172] : memref<512xf32, #tpu.memory_space<vmem>> -> memref<128xf32, #tpu.memory_space<vmem>>
    %dma_wait3A_174 = arith.constant 0 : i32
    %dma_wait3A_175 = tpu.memref_slice %arg8[%dma_wait3A_171, %dma_wait3A_174] : memref<4x128xi32, #tpu.memory_space<vmem>> -> memref<1x128xi32, #tpu.memory_space<vmem>>
    %dma_wait3A_176 = tpu.memref_squeeze %dma_wait3A_175 : memref<1x128xi32, #tpu.memory_space<vmem>> -> memref<128xi32, #tpu.memory_space<vmem>>
    %dma_wait3A_177 = arith.constant 0 : i32
    %dma_wait3A_178 = tpu.memref_slice %arg3[%dma_wait3A_177] : memref<1000000xf32, #tpu.memory_space<hbm>> -> memref<1000000xf32, #tpu.memory_space<hbm>>
    tpu.wait_indirect_dma semaphore(%arg16 : memref<!tpu.dma_semaphore, #tpu.memory_space<semaphore_mem>>) src(%dma_wait3A_178 : memref<1000000xf32, #tpu.memory_space<hbm>>) dst(%dma_wait3A_173 : memref<128xf32, #tpu.memory_space<vmem>>)
    %dma_wait3A_179 = arith.constant 3 : i32
    %dma_wait3A_180 = arith.constant 384 : i32
    %dma_wait3A_181 = tpu.memref_slice %arg12[%dma_wait3A_180] : memref<512xf32, #tpu.memory_space<vmem>> -> memref<128xf32, #tpu.memory_space<vmem>>
    %dma_wait3A_182 = arith.constant 0 : i32
    %dma_wait3A_183 = tpu.memref_slice %arg9[%dma_wait3A_179, %dma_wait3A_182] : memref<4x128xi32, #tpu.memory_space<vmem>> -> memref<1x128xi32, #tpu.memory_space<vmem>>
    %dma_wait3A_184 = tpu.memref_squeeze %dma_wait3A_183 : memref<1x128xi32, #tpu.memory_space<vmem>> -> memref<128xi32, #tpu.memory_space<vmem>>
    %dma_wait3A_185 = arith.constant 0 : i32
    %dma_wait3A_186 = tpu.memref_slice %arg4[%dma_wait3A_185] : memref<1000000xf32, #tpu.memory_space<hbm>> -> memref<1000000xf32, #tpu.memory_space<hbm>>
    tpu.wait_indirect_dma semaphore(%arg16 : memref<!tpu.dma_semaphore, #tpu.memory_space<semaphore_mem>>) src(%dma_wait3A_186 : memref<1000000xf32, #tpu.memory_space<hbm>>) dst(%dma_wait3A_181 : memref<128xf32, #tpu.memory_space<vmem>>)
    %dma_wait3A_187 = arith.constant 3 : i32
    %dma_wait3A_188 = arith.constant 384 : i32
    %dma_wait3A_189 = tpu.memref_slice %arg13[%dma_wait3A_188] : memref<512xf32, #tpu.memory_space<vmem>> -> memref<128xf32, #tpu.memory_space<vmem>>
    %dma_wait3A_190 = arith.constant 0 : i32
    %dma_wait3A_191 = tpu.memref_slice %arg10[%dma_wait3A_187, %dma_wait3A_190] : memref<4x128xi32, #tpu.memory_space<vmem>> -> memref<1x128xi32, #tpu.memory_space<vmem>>
    %dma_wait3A_192 = tpu.memref_squeeze %dma_wait3A_191 : memref<1x128xi32, #tpu.memory_space<vmem>> -> memref<128xi32, #tpu.memory_space<vmem>>
    %dma_wait3A_193 = arith.constant 0 : i32
    %dma_wait3A_194 = tpu.memref_slice %arg5[%dma_wait3A_193] : memref<1000000xf32, #tpu.memory_space<hbm>> -> memref<1000000xf32, #tpu.memory_space<hbm>>
    tpu.wait_indirect_dma semaphore(%arg16 : memref<!tpu.dma_semaphore, #tpu.memory_space<semaphore_mem>>) src(%dma_wait3A_194 : memref<1000000xf32, #tpu.memory_space<hbm>>) dst(%dma_wait3A_189 : memref<128xf32, #tpu.memory_space<vmem>>)
    %get3A = arith.constant 0 : index
    %get3A_195 = tpu.vector_load %arg15[%get3A] {strides = array<i32>} : memref<16xf32, #tpu.memory_space<vmem>>, vector<16xf32>,
    %slice3A = vector.extract_strided_slice %get3A_195 {offsets = [0], sizes = [1], strides = [1]} : vector<16xf32> to vector<1xf32>
    %squeeze3A = vector.extract %slice3A[0] : f32 from vector<1xf32>
    %get3A_196 = arith.constant 0 : index
    %get3A_197 = tpu.vector_load %arg11[%get3A_196] {strides = array<i32>} : memref<512xf32, #tpu.memory_space<vmem>>, vector<16xf32>,
    %get3A_198 = arith.constant 0 : index
    %get3A_199 = tpu.vector_load %arg12[%get3A_198] {strides = array<i32>} : memref<512xf32, #tpu.memory_space<vmem>>, vector<16xf32>,
    %add3A_200 = arith.addf %get3A_197, %get3A_199 : vector<16xf32>
    %get3A_201 = arith.constant 0 : index
    %get3A_202 = tpu.vector_load %arg13[%get3A_201] {strides = array<i32>} : memref<512xf32, #tpu.memory_space<vmem>>, vector<16xf32>,
    %add3A_203 = arith.addf %add3A_200, %get3A_202 : vector<16xf32>
    %add3A_204 = vector.broadcast %squeeze3A : f32 to vector<16xf32>
    %add3A_205 = arith.addf %add3A_203, %add3A_204 : vector<16xf32>
    %swap3A = arith.constant 0 : index
    %swap3A_206 = tpu.vector_load %arg14[%swap3A] {strides = array<i32>} : memref<512xf32, #tpu.memory_space<vmem>>, vector<16xf32>,
    tpu.vector_store %arg14[%swap3A], %add3A_205 {strides = array<i32>} : memref<512xf32, #tpu.memory_space<vmem>>, vector<16xf32>,
    %get3A_207 = arith.constant 16 : index
    %get3A_208 = tpu.vector_load %arg11[%get3A_207] {strides = array<i32>} : memref<512xf32, #tpu.memory_space<vmem>>, vector<16xf32>,
    %get3A_209 = arith.constant 16 : index
    %get3A_210 = tpu.vector_load %arg12[%get3A_209] {strides = array<i32>} : memref<512xf32, #tpu.memory_space<vmem>>, vector<16xf32>,
    %add3A_211 = arith.addf %get3A_208, %get3A_210 : vector<16xf32>
    %get3A_212 = arith.constant 16 : index
    %get3A_213 = tpu.vector_load %arg13[%get3A_212] {strides = array<i32>} : memref<512xf32, #tpu.memory_space<vmem>>, vector<16xf32>,
    %add3A_214 = arith.addf %add3A_211, %get3A_213 : vector<16xf32>
    %add3A_215 = vector.broadcast %squeeze3A : f32 to vector<16xf32>
    %add3A_216 = arith.addf %add3A_214, %add3A_215 : vector<16xf32>
    %swap3A_217 = arith.constant 16 : index
    %swap3A_218 = tpu.vector_load %arg14[%swap3A_217] {strides = array<i32>} : memref<512xf32, #tpu.memory_space<vmem>>, vector<16xf32>,
    tpu.vector_store %arg14[%swap3A_217], %add3A_216 {strides = array<i32>} : memref<512xf32, #tpu.memory_space<vmem>>, vector<16xf32>,
    %get3A_219 = arith.constant 32 : index
    %get3A_220 = tpu.vector_load %arg11[%get3A_219] {strides = array<i32>} : memref<512xf32, #tpu.memory_space<vmem>>, vector<16xf32>,
    %get3A_221 = arith.constant 32 : index
    %get3A_222 = tpu.vector_load %arg12[%get3A_221] {strides = array<i32>} : memref<512xf32, #tpu.memory_space<vmem>>, vector<16xf32>,
    %add3A_223 = arith.addf %get3A_220, %get3A_222 : vector<16xf32>
    %get3A_224 = arith.constant 32 : index
    %get3A_225 = tpu.vector_load %arg13[%get3A_224] {strides = array<i32>} : memref<512xf32, #tpu.memory_space<vmem>>, vector<16xf32>,
    %add3A_226 = arith.addf %add3A_223, %get3A_225 : vector<16xf32>
    %add3A_227 = vector.broadcast %squeeze3A : f32 to vector<16xf32>
    %add3A_228 = arith.addf %add3A_226, %add3A_227 : vector<16xf32>
    %swap3A_229 = arith.constant 32 : index
    %swap3A_230 = tpu.vector_load %arg14[%swap3A_229] {strides = array<i32>} : memref<512xf32, #tpu.memory_space<vmem>>, vector<16xf32>,
    tpu.vector_store %arg14[%swap3A_229], %add3A_228 {strides = array<i32>} : memref<512xf32, #tpu.memory_space<vmem>>, vector<16xf32>,
    %get3A_231 = arith.constant 48 : index
    %get3A_232 = tpu.vector_load %arg11[%get3A_231] {strides = array<i32>} : memref<512xf32, #tpu.memory_space<vmem>>, vector<16xf32>,
    %get3A_233 = arith.constant 48 : index
    %get3A_234 = tpu.vector_load %arg12[%get3A_233] {strides = array<i32>} : memref<512xf32, #tpu.memory_space<vmem>>, vector<16xf32>,
    %add3A_235 = arith.addf %get3A_232, %get3A_234 : vector<16xf32>
    %get3A_236 = arith.constant 48 : index
    %get3A_237 = tpu.vector_load %arg13[%get3A_236] {strides = array<i32>} : memref<512xf32, #tpu.memory_space<vmem>>, vector<16xf32>,
    %add3A_238 = arith.addf %add3A_235, %get3A_237 : vector<16xf32>
    %add3A_239 = vector.broadcast %squeeze3A : f32 to vector<16xf32>
    %add3A_240 = arith.addf %add3A_238, %add3A_239 : vector<16xf32>
    %swap3A_241 = arith.constant 48 : index
    %swap3A_242 = tpu.vector_load %arg14[%swap3A_241] {strides = array<i32>} : memref<512xf32, #tpu.memory_space<vmem>>, vector<16xf32>,
    tpu.vector_store %arg14[%swap3A_241], %add3A_240 {strides = array<i32>} : memref<512xf32, #tpu.memory_space<vmem>>, vector<16xf32>,
    %get3A_243 = arith.constant 64 : index
    %get3A_244 = tpu.vector_load %arg11[%get3A_243] {strides = array<i32>} : memref<512xf32, #tpu.memory_space<vmem>>, vector<16xf32>,
    %get3A_245 = arith.constant 64 : index
    %get3A_246 = tpu.vector_load %arg12[%get3A_245] {strides = array<i32>} : memref<512xf32, #tpu.memory_space<vmem>>, vector<16xf32>,
    %add3A_247 = arith.addf %get3A_244, %get3A_246 : vector<16xf32>
    %get3A_248 = arith.constant 64 : index
    %get3A_249 = tpu.vector_load %arg13[%get3A_248] {strides = array<i32>} : memref<512xf32, #tpu.memory_space<vmem>>, vector<16xf32>,
    %add3A_250 = arith.addf %add3A_247, %get3A_249 : vector<16xf32>
    %add3A_251 = vector.broadcast %squeeze3A : f32 to vector<16xf32>
    %add3A_252 = arith.addf %add3A_250, %add3A_251 : vector<16xf32>
    %swap3A_253 = arith.constant 64 : index
    %swap3A_254 = tpu.vector_load %arg14[%swap3A_253] {strides = array<i32>} : memref<512xf32, #tpu.memory_space<vmem>>, vector<16xf32>,
    tpu.vector_store %arg14[%swap3A_253], %add3A_252 {strides = array<i32>} : memref<512xf32, #tpu.memory_space<vmem>>, vector<16xf32>,
    %get3A_255 = arith.constant 80 : index
    %get3A_256 = tpu.vector_load %arg11[%get3A_255] {strides = array<i32>} : memref<512xf32, #tpu.memory_space<vmem>>, vector<16xf32>,
    %get3A_257 = arith.constant 80 : index
    %get3A_258 = tpu.vector_load %arg12[%get3A_257] {strides = array<i32>} : memref<512xf32, #tpu.memory_space<vmem>>, vector<16xf32>,
    %add3A_259 = arith.addf %get3A_256, %get3A_258 : vector<16xf32>
    %get3A_260 = arith.constant 80 : index
    %get3A_261 = tpu.vector_load %arg13[%get3A_260] {strides = array<i32>} : memref<512xf32, #tpu.memory_space<vmem>>, vector<16xf32>,
    %add3A_262 = arith.addf %add3A_259, %get3A_261 : vector<16xf32>
    %add3A_263 = vector.broadcast %squeeze3A : f32 to vector<16xf32>
    %add3A_264 = arith.addf %add3A_262, %add3A_263 : vector<16xf32>
    %swap3A_265 = arith.constant 80 : index
    %swap3A_266 = tpu.vector_load %arg14[%swap3A_265] {strides = array<i32>} : memref<512xf32, #tpu.memory_space<vmem>>, vector<16xf32>,
    tpu.vector_store %arg14[%swap3A_265], %add3A_264 {strides = array<i32>} : memref<512xf32, #tpu.memory_space<vmem>>, vector<16xf32>,
    %get3A_267 = arith.constant 96 : index
    %get3A_268 = tpu.vector_load %arg11[%get3A_267] {strides = array<i32>} : memref<512xf32, #tpu.memory_space<vmem>>, vector<16xf32>,
    %get3A_269 = arith.constant 96 : index
    %get3A_270 = tpu.vector_load %arg12[%get3A_269] {strides = array<i32>} : memref<512xf32, #tpu.memory_space<vmem>>, vector<16xf32>,
    %add3A_271 = arith.addf %get3A_268, %get3A_270 : vector<16xf32>
    %get3A_272 = arith.constant 96 : index
    %get3A_273 = tpu.vector_load %arg13[%get3A_272] {strides = array<i32>} : memref<512xf32, #tpu.memory_space<vmem>>, vector<16xf32>,
    %add3A_274 = arith.addf %add3A_271, %get3A_273 : vector<16xf32>
    %add3A_275 = vector.broadcast %squeeze3A : f32 to vector<16xf32>
    %add3A_276 = arith.addf %add3A_274, %add3A_275 : vector<16xf32>
    %swap3A_277 = arith.constant 96 : index
    %swap3A_278 = tpu.vector_load %arg14[%swap3A_277] {strides = array<i32>} : memref<512xf32, #tpu.memory_space<vmem>>, vector<16xf32>,
    tpu.vector_store %arg14[%swap3A_277], %add3A_276 {strides = array<i32>} : memref<512xf32, #tpu.memory_space<vmem>>, vector<16xf32>,
    %get3A_279 = arith.constant 112 : index
    %get3A_280 = tpu.vector_load %arg11[%get3A_279] {strides = array<i32>} : memref<512xf32, #tpu.memory_space<vmem>>, vector<16xf32>,
    %get3A_281 = arith.constant 112 : index
    %get3A_282 = tpu.vector_load %arg12[%get3A_281] {strides = array<i32>} : memref<512xf32, #tpu.memory_space<vmem>>, vector<16xf32>,
    %add3A_283 = arith.addf %get3A_280, %get3A_282 : vector<16xf32>
    %get3A_284 = arith.constant 112 : index
    %get3A_285 = tpu.vector_load %arg13[%get3A_284] {strides = array<i32>} : memref<512xf32, #tpu.memory_space<vmem>>, vector<16xf32>,
    %add3A_286 = arith.addf %add3A_283, %get3A_285 : vector<16xf32>
    %add3A_287 = vector.broadcast %squeeze3A : f32 to vector<16xf32>
    %add3A_288 = arith.addf %add3A_286, %add3A_287 : vector<16xf32>
    %swap3A_289 = arith.constant 112 : index
    %swap3A_290 = tpu.vector_load %arg14[%swap3A_289] {strides = array<i32>} : memref<512xf32, #tpu.memory_space<vmem>>, vector<16xf32>,
    tpu.vector_store %arg14[%swap3A_289], %add3A_288 {strides = array<i32>} : memref<512xf32, #tpu.memory_space<vmem>>, vector<16xf32>,
    %get3A_291 = arith.constant 128 : index
    %get3A_292 = tpu.vector_load %arg11[%get3A_291] {strides = array<i32>} : memref<512xf32, #tpu.memory_space<vmem>>, vector<16xf32>,
    %get3A_293 = arith.constant 128 : index
    %get3A_294 = tpu.vector_load %arg12[%get3A_293] {strides = array<i32>} : memref<512xf32, #tpu.memory_space<vmem>>, vector<16xf32>,
    %add3A_295 = arith.addf %get3A_292, %get3A_294 : vector<16xf32>
    %get3A_296 = arith.constant 128 : index
    %get3A_297 = tpu.vector_load %arg13[%get3A_296] {strides = array<i32>} : memref<512xf32, #tpu.memory_space<vmem>>, vector<16xf32>,
    %add3A_298 = arith.addf %add3A_295, %get3A_297 : vector<16xf32>
    %add3A_299 = vector.broadcast %squeeze3A : f32 to vector<16xf32>
    %add3A_300 = arith.addf %add3A_298, %add3A_299 : vector<16xf32>
    %swap3A_301 = arith.constant 128 : index
    %swap3A_302 = tpu.vector_load %arg14[%swap3A_301] {strides = array<i32>} : memref<512xf32, #tpu.memory_space<vmem>>, vector<16xf32>,
    tpu.vector_store %arg14[%swap3A_301], %add3A_300 {strides = array<i32>} : memref<512xf32, #tpu.memory_space<vmem>>, vector<16xf32>,
    %get3A_303 = arith.constant 144 : index
    %get3A_304 = tpu.vector_load %arg11[%get3A_303] {strides = array<i32>} : memref<512xf32, #tpu.memory_space<vmem>>, vector<16xf32>,
    %get3A_305 = arith.constant 144 : index
    %get3A_306 = tpu.vector_load %arg12[%get3A_305] {strides = array<i32>} : memref<512xf32, #tpu.memory_space<vmem>>, vector<16xf32>,
    %add3A_307 = arith.addf %get3A_304, %get3A_306 : vector<16xf32>
    %get3A_308 = arith.constant 144 : index
    %get3A_309 = tpu.vector_load %arg13[%get3A_308] {strides = array<i32>} : memref<512xf32, #tpu.memory_space<vmem>>, vector<16xf32>,
    %add3A_310 = arith.addf %add3A_307, %get3A_309 : vector<16xf32>
    %add3A_311 = vector.broadcast %squeeze3A : f32 to vector<16xf32>
    %add3A_312 = arith.addf %add3A_310, %add3A_311 : vector<16xf32>
    %swap3A_313 = arith.constant 144 : index
    %swap3A_314 = tpu.vector_load %arg14[%swap3A_313] {strides = array<i32>} : memref<512xf32, #tpu.memory_space<vmem>>, vector<16xf32>,
    tpu.vector_store %arg14[%swap3A_313], %add3A_312 {strides = array<i32>} : memref<512xf32, #tpu.memory_space<vmem>>, vector<16xf32>,
    %get3A_315 = arith.constant 160 : index
    %get3A_316 = tpu.vector_load %arg11[%get3A_315] {strides = array<i32>} : memref<512xf32, #tpu.memory_space<vmem>>, vector<16xf32>,
    %get3A_317 = arith.constant 160 : index
    %get3A_318 = tpu.vector_load %arg12[%get3A_317] {strides = array<i32>} : memref<512xf32, #tpu.memory_space<vmem>>, vector<16xf32>,
    %add3A_319 = arith.addf %get3A_316, %get3A_318 : vector<16xf32>
    %get3A_320 = arith.constant 160 : index
    %get3A_321 = tpu.vector_load %arg13[%get3A_320] {strides = array<i32>} : memref<512xf32, #tpu.memory_space<vmem>>, vector<16xf32>,
    %add3A_322 = arith.addf %add3A_319, %get3A_321 : vector<16xf32>
    %add3A_323 = vector.broadcast %squeeze3A : f32 to vector<16xf32>
    %add3A_324 = arith.addf %add3A_322, %add3A_323 : vector<16xf32>
    %swap3A_325 = arith.constant 160 : index
    %swap3A_326 = tpu.vector_load %arg14[%swap3A_325] {strides = array<i32>} : memref<512xf32, #tpu.memory_space<vmem>>, vector<16xf32>,
    tpu.vector_store %arg14[%swap3A_325], %add3A_324 {strides = array<i32>} : memref<512xf32, #tpu.memory_space<vmem>>, vector<16xf32>,
    %get3A_327 = arith.constant 176 : index
    %get3A_328 = tpu.vector_load %arg11[%get3A_327] {strides = array<i32>} : memref<512xf32, #tpu.memory_space<vmem>>, vector<16xf32>,
    %get3A_329 = arith.constant 176 : index
    %get3A_330 = tpu.vector_load %arg12[%get3A_329] {strides = array<i32>} : memref<512xf32, #tpu.memory_space<vmem>>, vector<16xf32>,
    %add3A_331 = arith.addf %get3A_328, %get3A_330 : vector<16xf32>
    %get3A_332 = arith.constant 176 : index
    %get3A_333 = tpu.vector_load %arg13[%get3A_332] {strides = array<i32>} : memref<512xf32, #tpu.memory_space<vmem>>, vector<16xf32>,
    %add3A_334 = arith.addf %add3A_331, %get3A_333 : vector<16xf32>
    %add3A_335 = vector.broadcast %squeeze3A : f32 to vector<16xf32>
    %add3A_336 = arith.addf %add3A_334, %add3A_335 : vector<16xf32>
    %swap3A_337 = arith.constant 176 : index
    %swap3A_338 = tpu.vector_load %arg14[%swap3A_337] {strides = array<i32>} : memref<512xf32, #tpu.memory_space<vmem>>, vector<16xf32>,
    tpu.vector_store %arg14[%swap3A_337], %add3A_336 {strides = array<i32>} : memref<512xf32, #tpu.memory_space<vmem>>, vector<16xf32>,
    %get3A_339 = arith.constant 192 : index
    %get3A_340 = tpu.vector_load %arg11[%get3A_339] {strides = array<i32>} : memref<512xf32, #tpu.memory_space<vmem>>, vector<16xf32>,
    %get3A_341 = arith.constant 192 : index
    %get3A_342 = tpu.vector_load %arg12[%get3A_341] {strides = array<i32>} : memref<512xf32, #tpu.memory_space<vmem>>, vector<16xf32>,
    %add3A_343 = arith.addf %get3A_340, %get3A_342 : vector<16xf32>
    %get3A_344 = arith.constant 192 : index
    %get3A_345 = tpu.vector_load %arg13[%get3A_344] {strides = array<i32>} : memref<512xf32, #tpu.memory_space<vmem>>, vector<16xf32>,
    %add3A_346 = arith.addf %add3A_343, %get3A_345 : vector<16xf32>
    %add3A_347 = vector.broadcast %squeeze3A : f32 to vector<16xf32>
    %add3A_348 = arith.addf %add3A_346, %add3A_347 : vector<16xf32>
    %swap3A_349 = arith.constant 192 : index
    %swap3A_350 = tpu.vector_load %arg14[%swap3A_349] {strides = array<i32>} : memref<512xf32, #tpu.memory_space<vmem>>, vector<16xf32>,
    tpu.vector_store %arg14[%swap3A_349], %add3A_348 {strides = array<i32>} : memref<512xf32, #tpu.memory_space<vmem>>, vector<16xf32>,
    %get3A_351 = arith.constant 208 : index
    %get3A_352 = tpu.vector_load %arg11[%get3A_351] {strides = array<i32>} : memref<512xf32, #tpu.memory_space<vmem>>, vector<16xf32>,
    %get3A_353 = arith.constant 208 : index
    %get3A_354 = tpu.vector_load %arg12[%get3A_353] {strides = array<i32>} : memref<512xf32, #tpu.memory_space<vmem>>, vector<16xf32>,
    %add3A_355 = arith.addf %get3A_352, %get3A_354 : vector<16xf32>
    %get3A_356 = arith.constant 208 : index
    %get3A_357 = tpu.vector_load %arg13[%get3A_356] {strides = array<i32>} : memref<512xf32, #tpu.memory_space<vmem>>, vector<16xf32>,
    %add3A_358 = arith.addf %add3A_355, %get3A_357 : vector<16xf32>
    %add3A_359 = vector.broadcast %squeeze3A : f32 to vector<16xf32>
    %add3A_360 = arith.addf %add3A_358, %add3A_359 : vector<16xf32>
    %swap3A_361 = arith.constant 208 : index
    %swap3A_362 = tpu.vector_load %arg14[%swap3A_361] {strides = array<i32>} : memref<512xf32, #tpu.memory_space<vmem>>, vector<16xf32>,
    tpu.vector_store %arg14[%swap3A_361], %add3A_360 {strides = array<i32>} : memref<512xf32, #tpu.memory_space<vmem>>, vector<16xf32>,
    %get3A_363 = arith.constant 224 : index
    %get3A_364 = tpu.vector_load %arg11[%get3A_363] {strides = array<i32>} : memref<512xf32, #tpu.memory_space<vmem>>, vector<16xf32>,
    %get3A_365 = arith.constant 224 : index
    %get3A_366 = tpu.vector_load %arg12[%get3A_365] {strides = array<i32>} : memref<512xf32, #tpu.memory_space<vmem>>, vector<16xf32>,
    %add3A_367 = arith.addf %get3A_364, %get3A_366 : vector<16xf32>
    %get3A_368 = arith.constant 224 : index
    %get3A_369 = tpu.vector_load %arg13[%get3A_368] {strides = array<i32>} : memref<512xf32, #tpu.memory_space<vmem>>, vector<16xf32>,
    %add3A_370 = arith.addf %add3A_367, %get3A_369 : vector<16xf32>
    %add3A_371 = vector.broadcast %squeeze3A : f32 to vector<16xf32>
    %add3A_372 = arith.addf %add3A_370, %add3A_371 : vector<16xf32>
    %swap3A_373 = arith.constant 224 : index
    %swap3A_374 = tpu.vector_load %arg14[%swap3A_373] {strides = array<i32>} : memref<512xf32, #tpu.memory_space<vmem>>, vector<16xf32>,
    tpu.vector_store %arg14[%swap3A_373], %add3A_372 {strides = array<i32>} : memref<512xf32, #tpu.memory_space<vmem>>, vector<16xf32>,
    %get3A_375 = arith.constant 240 : index
    %get3A_376 = tpu.vector_load %arg11[%get3A_375] {strides = array<i32>} : memref<512xf32, #tpu.memory_space<vmem>>, vector<16xf32>,
    %get3A_377 = arith.constant 240 : index
    %get3A_378 = tpu.vector_load %arg12[%get3A_377] {strides = array<i32>} : memref<512xf32, #tpu.memory_space<vmem>>, vector<16xf32>,
    %add3A_379 = arith.addf %get3A_376, %get3A_378 : vector<16xf32>
    %get3A_380 = arith.constant 240 : index
    %get3A_381 = tpu.vector_load %arg13[%get3A_380] {strides = array<i32>} : memref<512xf32, #tpu.memory_space<vmem>>, vector<16xf32>,
    %add3A_382 = arith.addf %add3A_379, %get3A_381 : vector<16xf32>
    %add3A_383 = vector.broadcast %squeeze3A : f32 to vector<16xf32>
    %add3A_384 = arith.addf %add3A_382, %add3A_383 : vector<16xf32>
    %swap3A_385 = arith.constant 240 : index
    %swap3A_386 = tpu.vector_load %arg14[%swap3A_385] {strides = array<i32>} : memref<512xf32, #tpu.memory_space<vmem>>, vector<16xf32>,
    tpu.vector_store %arg14[%swap3A_385], %add3A_384 {strides = array<i32>} : memref<512xf32, #tpu.memory_space<vmem>>, vector<16xf32>,
    %get3A_387 = arith.constant 256 : index
    %get3A_388 = tpu.vector_load %arg11[%get3A_387] {strides = array<i32>} : memref<512xf32, #tpu.memory_space<vmem>>, vector<16xf32>,
    %get3A_389 = arith.constant 256 : index
    %get3A_390 = tpu.vector_load %arg12[%get3A_389] {strides = array<i32>} : memref<512xf32, #tpu.memory_space<vmem>>, vector<16xf32>,
    %add3A_391 = arith.addf %get3A_388, %get3A_390 : vector<16xf32>
    %get3A_392 = arith.constant 256 : index
    %get3A_393 = tpu.vector_load %arg13[%get3A_392] {strides = array<i32>} : memref<512xf32, #tpu.memory_space<vmem>>, vector<16xf32>,
    %add3A_394 = arith.addf %add3A_391, %get3A_393 : vector<16xf32>
    %add3A_395 = vector.broadcast %squeeze3A : f32 to vector<16xf32>
    %add3A_396 = arith.addf %add3A_394, %add3A_395 : vector<16xf32>
    %swap3A_397 = arith.constant 256 : index
    %swap3A_398 = tpu.vector_load %arg14[%swap3A_397] {strides = array<i32>} : memref<512xf32, #tpu.memory_space<vmem>>, vector<16xf32>,
    tpu.vector_store %arg14[%swap3A_397], %add3A_396 {strides = array<i32>} : memref<512xf32, #tpu.memory_space<vmem>>, vector<16xf32>,
    %get3A_399 = arith.constant 272 : index
    %get3A_400 = tpu.vector_load %arg11[%get3A_399] {strides = array<i32>} : memref<512xf32, #tpu.memory_space<vmem>>, vector<16xf32>,
    %get3A_401 = arith.constant 272 : index
    %get3A_402 = tpu.vector_load %arg12[%get3A_401] {strides = array<i32>} : memref<512xf32, #tpu.memory_space<vmem>>, vector<16xf32>,
    %add3A_403 = arith.addf %get3A_400, %get3A_402 : vector<16xf32>
    %get3A_404 = arith.constant 272 : index
    %get3A_405 = tpu.vector_load %arg13[%get3A_404] {strides = array<i32>} : memref<512xf32, #tpu.memory_space<vmem>>, vector<16xf32>,
    %add3A_406 = arith.addf %add3A_403, %get3A_405 : vector<16xf32>
    %add3A_407 = vector.broadcast %squeeze3A : f32 to vector<16xf32>
    %add3A_408 = arith.addf %add3A_406, %add3A_407 : vector<16xf32>
    %swap3A_409 = arith.constant 272 : index
    %swap3A_410 = tpu.vector_load %arg14[%swap3A_409] {strides = array<i32>} : memref<512xf32, #tpu.memory_space<vmem>>, vector<16xf32>,
    tpu.vector_store %arg14[%swap3A_409], %add3A_408 {strides = array<i32>} : memref<512xf32, #tpu.memory_space<vmem>>, vector<16xf32>,
    %get3A_411 = arith.constant 288 : index
    %get3A_412 = tpu.vector_load %arg11[%get3A_411] {strides = array<i32>} : memref<512xf32, #tpu.memory_space<vmem>>, vector<16xf32>,
    %get3A_413 = arith.constant 288 : index
    %get3A_414 = tpu.vector_load %arg12[%get3A_413] {strides = array<i32>} : memref<512xf32, #tpu.memory_space<vmem>>, vector<16xf32>,
    %add3A_415 = arith.addf %get3A_412, %get3A_414 : vector<16xf32>
    %get3A_416 = arith.constant 288 : index
    %get3A_417 = tpu.vector_load %arg13[%get3A_416] {strides = array<i32>} : memref<512xf32, #tpu.memory_space<vmem>>, vector<16xf32>,
    %add3A_418 = arith.addf %add3A_415, %get3A_417 : vector<16xf32>
    %add3A_419 = vector.broadcast %squeeze3A : f32 to vector<16xf32>
    %add3A_420 = arith.addf %add3A_418, %add3A_419 : vector<16xf32>
    %swap3A_421 = arith.constant 288 : index
    %swap3A_422 = tpu.vector_load %arg14[%swap3A_421] {strides = array<i32>} : memref<512xf32, #tpu.memory_space<vmem>>, vector<16xf32>,
    tpu.vector_store %arg14[%swap3A_421], %add3A_420 {strides = array<i32>} : memref<512xf32, #tpu.memory_space<vmem>>, vector<16xf32>,
    %get3A_423 = arith.constant 304 : index
    %get3A_424 = tpu.vector_load %arg11[%get3A_423] {strides = array<i32>} : memref<512xf32, #tpu.memory_space<vmem>>, vector<16xf32>,
    %get3A_425 = arith.constant 304 : index
    %get3A_426 = tpu.vector_load %arg12[%get3A_425] {strides = array<i32>} : memref<512xf32, #tpu.memory_space<vmem>>, vector<16xf32>,
    %add3A_427 = arith.addf %get3A_424, %get3A_426 : vector<16xf32>
    %get3A_428 = arith.constant 304 : index
    %get3A_429 = tpu.vector_load %arg13[%get3A_428] {strides = array<i32>} : memref<512xf32, #tpu.memory_space<vmem>>, vector<16xf32>,
    %add3A_430 = arith.addf %add3A_427, %get3A_429 : vector<16xf32>
    %add3A_431 = vector.broadcast %squeeze3A : f32 to vector<16xf32>
    %add3A_432 = arith.addf %add3A_430, %add3A_431 : vector<16xf32>
    %swap3A_433 = arith.constant 304 : index
    %swap3A_434 = tpu.vector_load %arg14[%swap3A_433] {strides = array<i32>} : memref<512xf32, #tpu.memory_space<vmem>>, vector<16xf32>,
    tpu.vector_store %arg14[%swap3A_433], %add3A_432 {strides = array<i32>} : memref<512xf32, #tpu.memory_space<vmem>>, vector<16xf32>,
    %get3A_435 = arith.constant 320 : index
    %get3A_436 = tpu.vector_load %arg11[%get3A_435] {strides = array<i32>} : memref<512xf32, #tpu.memory_space<vmem>>, vector<16xf32>,
    %get3A_437 = arith.constant 320 : index
    %get3A_438 = tpu.vector_load %arg12[%get3A_437] {strides = array<i32>} : memref<512xf32, #tpu.memory_space<vmem>>, vector<16xf32>,
    %add3A_439 = arith.addf %get3A_436, %get3A_438 : vector<16xf32>
    %get3A_440 = arith.constant 320 : index
    %get3A_441 = tpu.vector_load %arg13[%get3A_440] {strides = array<i32>} : memref<512xf32, #tpu.memory_space<vmem>>, vector<16xf32>,
    %add3A_442 = arith.addf %add3A_439, %get3A_441 : vector<16xf32>
    %add3A_443 = vector.broadcast %squeeze3A : f32 to vector<16xf32>
    %add3A_444 = arith.addf %add3A_442, %add3A_443 : vector<16xf32>
    %swap3A_445 = arith.constant 320 : index
    %swap3A_446 = tpu.vector_load %arg14[%swap3A_445] {strides = array<i32>} : memref<512xf32, #tpu.memory_space<vmem>>, vector<16xf32>,
    tpu.vector_store %arg14[%swap3A_445], %add3A_444 {strides = array<i32>} : memref<512xf32, #tpu.memory_space<vmem>>, vector<16xf32>,
    %get3A_447 = arith.constant 336 : index
    %get3A_448 = tpu.vector_load %arg11[%get3A_447] {strides = array<i32>} : memref<512xf32, #tpu.memory_space<vmem>>, vector<16xf32>,
    %get3A_449 = arith.constant 336 : index
    %get3A_450 = tpu.vector_load %arg12[%get3A_449] {strides = array<i32>} : memref<512xf32, #tpu.memory_space<vmem>>, vector<16xf32>,
    %add3A_451 = arith.addf %get3A_448, %get3A_450 : vector<16xf32>
    %get3A_452 = arith.constant 336 : index
    %get3A_453 = tpu.vector_load %arg13[%get3A_452] {strides = array<i32>} : memref<512xf32, #tpu.memory_space<vmem>>, vector<16xf32>,
    %add3A_454 = arith.addf %add3A_451, %get3A_453 : vector<16xf32>
    %add3A_455 = vector.broadcast %squeeze3A : f32 to vector<16xf32>
    %add3A_456 = arith.addf %add3A_454, %add3A_455 : vector<16xf32>
    %swap3A_457 = arith.constant 336 : index
    %swap3A_458 = tpu.vector_load %arg14[%swap3A_457] {strides = array<i32>} : memref<512xf32, #tpu.memory_space<vmem>>, vector<16xf32>,
    tpu.vector_store %arg14[%swap3A_457], %add3A_456 {strides = array<i32>} : memref<512xf32, #tpu.memory_space<vmem>>, vector<16xf32>,
    %get3A_459 = arith.constant 352 : index
    %get3A_460 = tpu.vector_load %arg11[%get3A_459] {strides = array<i32>} : memref<512xf32, #tpu.memory_space<vmem>>, vector<16xf32>,
    %get3A_461 = arith.constant 352 : index
    %get3A_462 = tpu.vector_load %arg12[%get3A_461] {strides = array<i32>} : memref<512xf32, #tpu.memory_space<vmem>>, vector<16xf32>,
    %add3A_463 = arith.addf %get3A_460, %get3A_462 : vector<16xf32>
    %get3A_464 = arith.constant 352 : index
    %get3A_465 = tpu.vector_load %arg13[%get3A_464] {strides = array<i32>} : memref<512xf32, #tpu.memory_space<vmem>>, vector<16xf32>,
    %add3A_466 = arith.addf %add3A_463, %get3A_465 : vector<16xf32>
    %add3A_467 = vector.broadcast %squeeze3A : f32 to vector<16xf32>
    %add3A_468 = arith.addf %add3A_466, %add3A_467 : vector<16xf32>
    %swap3A_469 = arith.constant 352 : index
    %swap3A_470 = tpu.vector_load %arg14[%swap3A_469] {strides = array<i32>} : memref<512xf32, #tpu.memory_space<vmem>>, vector<16xf32>,
    tpu.vector_store %arg14[%swap3A_469], %add3A_468 {strides = array<i32>} : memref<512xf32, #tpu.memory_space<vmem>>, vector<16xf32>,
    %get3A_471 = arith.constant 368 : index
    %get3A_472 = tpu.vector_load %arg11[%get3A_471] {strides = array<i32>} : memref<512xf32, #tpu.memory_space<vmem>>, vector<16xf32>,
    %get3A_473 = arith.constant 368 : index
    %get3A_474 = tpu.vector_load %arg12[%get3A_473] {strides = array<i32>} : memref<512xf32, #tpu.memory_space<vmem>>, vector<16xf32>,
    %add3A_475 = arith.addf %get3A_472, %get3A_474 : vector<16xf32>
    %get3A_476 = arith.constant 368 : index
    %get3A_477 = tpu.vector_load %arg13[%get3A_476] {strides = array<i32>} : memref<512xf32, #tpu.memory_space<vmem>>, vector<16xf32>,
    %add3A_478 = arith.addf %add3A_475, %get3A_477 : vector<16xf32>
    %add3A_479 = vector.broadcast %squeeze3A : f32 to vector<16xf32>
    %add3A_480 = arith.addf %add3A_478, %add3A_479 : vector<16xf32>
    %swap3A_481 = arith.constant 368 : index
    %swap3A_482 = tpu.vector_load %arg14[%swap3A_481] {strides = array<i32>} : memref<512xf32, #tpu.memory_space<vmem>>, vector<16xf32>,
    tpu.vector_store %arg14[%swap3A_481], %add3A_480 {strides = array<i32>} : memref<512xf32, #tpu.memory_space<vmem>>, vector<16xf32>,
    %get3A_483 = arith.constant 384 : index
    %get3A_484 = tpu.vector_load %arg11[%get3A_483] {strides = array<i32>} : memref<512xf32, #tpu.memory_space<vmem>>, vector<16xf32>,
    %get3A_485 = arith.constant 384 : index
    %get3A_486 = tpu.vector_load %arg12[%get3A_485] {strides = array<i32>} : memref<512xf32, #tpu.memory_space<vmem>>, vector<16xf32>,
    %add3A_487 = arith.addf %get3A_484, %get3A_486 : vector<16xf32>
    %get3A_488 = arith.constant 384 : index
    %get3A_489 = tpu.vector_load %arg13[%get3A_488] {strides = array<i32>} : memref<512xf32, #tpu.memory_space<vmem>>, vector<16xf32>,
    %add3A_490 = arith.addf %add3A_487, %get3A_489 : vector<16xf32>
    %add3A_491 = vector.broadcast %squeeze3A : f32 to vector<16xf32>
    %add3A_492 = arith.addf %add3A_490, %add3A_491 : vector<16xf32>
    %swap3A_493 = arith.constant 384 : index
    %swap3A_494 = tpu.vector_load %arg14[%swap3A_493] {strides = array<i32>} : memref<512xf32, #tpu.memory_space<vmem>>, vector<16xf32>,
    tpu.vector_store %arg14[%swap3A_493], %add3A_492 {strides = array<i32>} : memref<512xf32, #tpu.memory_space<vmem>>, vector<16xf32>,
    %get3A_495 = arith.constant 400 : index
    %get3A_496 = tpu.vector_load %arg11[%get3A_495] {strides = array<i32>} : memref<512xf32, #tpu.memory_space<vmem>>, vector<16xf32>,
    %get3A_497 = arith.constant 400 : index
    %get3A_498 = tpu.vector_load %arg12[%get3A_497] {strides = array<i32>} : memref<512xf32, #tpu.memory_space<vmem>>, vector<16xf32>,
    %add3A_499 = arith.addf %get3A_496, %get3A_498 : vector<16xf32>
    %get3A_500 = arith.constant 400 : index
    %get3A_501 = tpu.vector_load %arg13[%get3A_500] {strides = array<i32>} : memref<512xf32, #tpu.memory_space<vmem>>, vector<16xf32>,
    %add3A_502 = arith.addf %add3A_499, %get3A_501 : vector<16xf32>
    %add3A_503 = vector.broadcast %squeeze3A : f32 to vector<16xf32>
    %add3A_504 = arith.addf %add3A_502, %add3A_503 : vector<16xf32>
    %swap3A_505 = arith.constant 400 : index
    %swap3A_506 = tpu.vector_load %arg14[%swap3A_505] {strides = array<i32>} : memref<512xf32, #tpu.memory_space<vmem>>, vector<16xf32>,
    tpu.vector_store %arg14[%swap3A_505], %add3A_504 {strides = array<i32>} : memref<512xf32, #tpu.memory_space<vmem>>, vector<16xf32>,
    %get3A_507 = arith.constant 416 : index
    %get3A_508 = tpu.vector_load %arg11[%get3A_507] {strides = array<i32>} : memref<512xf32, #tpu.memory_space<vmem>>, vector<16xf32>,
    %get3A_509 = arith.constant 416 : index
    %get3A_510 = tpu.vector_load %arg12[%get3A_509] {strides = array<i32>} : memref<512xf32, #tpu.memory_space<vmem>>, vector<16xf32>,
    %add3A_511 = arith.addf %get3A_508, %get3A_510 : vector<16xf32>
    %get3A_512 = arith.constant 416 : index
    %get3A_513 = tpu.vector_load %arg13[%get3A_512] {strides = array<i32>} : memref<512xf32, #tpu.memory_space<vmem>>, vector<16xf32>,
    %add3A_514 = arith.addf %add3A_511, %get3A_513 : vector<16xf32>
    %add3A_515 = vector.broadcast %squeeze3A : f32 to vector<16xf32>
    %add3A_516 = arith.addf %add3A_514, %add3A_515 : vector<16xf32>
    %swap3A_517 = arith.constant 416 : index
    %swap3A_518 = tpu.vector_load %arg14[%swap3A_517] {strides = array<i32>} : memref<512xf32, #tpu.memory_space<vmem>>, vector<16xf32>,
    tpu.vector_store %arg14[%swap3A_517], %add3A_516 {strides = array<i32>} : memref<512xf32, #tpu.memory_space<vmem>>, vector<16xf32>,
    %get3A_519 = arith.constant 432 : index
    %get3A_520 = tpu.vector_load %arg11[%get3A_519] {strides = array<i32>} : memref<512xf32, #tpu.memory_space<vmem>>, vector<16xf32>,
    %get3A_521 = arith.constant 432 : index
    %get3A_522 = tpu.vector_load %arg12[%get3A_521] {strides = array<i32>} : memref<512xf32, #tpu.memory_space<vmem>>, vector<16xf32>,
    %add3A_523 = arith.addf %get3A_520, %get3A_522 : vector<16xf32>
    %get3A_524 = arith.constant 432 : index
    %get3A_525 = tpu.vector_load %arg13[%get3A_524] {strides = array<i32>} : memref<512xf32, #tpu.memory_space<vmem>>, vector<16xf32>,
    %add3A_526 = arith.addf %add3A_523, %get3A_525 : vector<16xf32>
    %add3A_527 = vector.broadcast %squeeze3A : f32 to vector<16xf32>
    %add3A_528 = arith.addf %add3A_526, %add3A_527 : vector<16xf32>
    %swap3A_529 = arith.constant 432 : index
    %swap3A_530 = tpu.vector_load %arg14[%swap3A_529] {strides = array<i32>} : memref<512xf32, #tpu.memory_space<vmem>>, vector<16xf32>,
    tpu.vector_store %arg14[%swap3A_529], %add3A_528 {strides = array<i32>} : memref<512xf32, #tpu.memory_space<vmem>>, vector<16xf32>,
    %get3A_531 = arith.constant 448 : index
    %get3A_532 = tpu.vector_load %arg11[%get3A_531] {strides = array<i32>} : memref<512xf32, #tpu.memory_space<vmem>>, vector<16xf32>,
    %get3A_533 = arith.constant 448 : index
    %get3A_534 = tpu.vector_load %arg12[%get3A_533] {strides = array<i32>} : memref<512xf32, #tpu.memory_space<vmem>>, vector<16xf32>,
    %add3A_535 = arith.addf %get3A_532, %get3A_534 : vector<16xf32>
    %get3A_536 = arith.constant 448 : index
    %get3A_537 = tpu.vector_load %arg13[%get3A_536] {strides = array<i32>} : memref<512xf32, #tpu.memory_space<vmem>>, vector<16xf32>,
    %add3A_538 = arith.addf %add3A_535, %get3A_537 : vector<16xf32>
    %add3A_539 = vector.broadcast %squeeze3A : f32 to vector<16xf32>
    %add3A_540 = arith.addf %add3A_538, %add3A_539 : vector<16xf32>
    %swap3A_541 = arith.constant 448 : index
    %swap3A_542 = tpu.vector_load %arg14[%swap3A_541] {strides = array<i32>} : memref<512xf32, #tpu.memory_space<vmem>>, vector<16xf32>,
    tpu.vector_store %arg14[%swap3A_541], %add3A_540 {strides = array<i32>} : memref<512xf32, #tpu.memory_space<vmem>>, vector<16xf32>,
    %get3A_543 = arith.constant 464 : index
    %get3A_544 = tpu.vector_load %arg11[%get3A_543] {strides = array<i32>} : memref<512xf32, #tpu.memory_space<vmem>>, vector<16xf32>,
    %get3A_545 = arith.constant 464 : index
    %get3A_546 = tpu.vector_load %arg12[%get3A_545] {strides = array<i32>} : memref<512xf32, #tpu.memory_space<vmem>>, vector<16xf32>,
    %add3A_547 = arith.addf %get3A_544, %get3A_546 : vector<16xf32>
    %get3A_548 = arith.constant 464 : index
    %get3A_549 = tpu.vector_load %arg13[%get3A_548] {strides = array<i32>} : memref<512xf32, #tpu.memory_space<vmem>>, vector<16xf32>,
    %add3A_550 = arith.addf %add3A_547, %get3A_549 : vector<16xf32>
    %add3A_551 = vector.broadcast %squeeze3A : f32 to vector<16xf32>
    %add3A_552 = arith.addf %add3A_550, %add3A_551 : vector<16xf32>
    %swap3A_553 = arith.constant 464 : index
    %swap3A_554 = tpu.vector_load %arg14[%swap3A_553] {strides = array<i32>} : memref<512xf32, #tpu.memory_space<vmem>>, vector<16xf32>,
    tpu.vector_store %arg14[%swap3A_553], %add3A_552 {strides = array<i32>} : memref<512xf32, #tpu.memory_space<vmem>>, vector<16xf32>,
    %get3A_555 = arith.constant 480 : index
    %get3A_556 = tpu.vector_load %arg11[%get3A_555] {strides = array<i32>} : memref<512xf32, #tpu.memory_space<vmem>>, vector<16xf32>,
    %get3A_557 = arith.constant 480 : index
    %get3A_558 = tpu.vector_load %arg12[%get3A_557] {strides = array<i32>} : memref<512xf32, #tpu.memory_space<vmem>>, vector<16xf32>,
    %add3A_559 = arith.addf %get3A_556, %get3A_558 : vector<16xf32>
    %get3A_560 = arith.constant 480 : index
    %get3A_561 = tpu.vector_load %arg13[%get3A_560] {strides = array<i32>} : memref<512xf32, #tpu.memory_space<vmem>>, vector<16xf32>,
    %add3A_562 = arith.addf %add3A_559, %get3A_561 : vector<16xf32>
    %add3A_563 = vector.broadcast %squeeze3A : f32 to vector<16xf32>
    %add3A_564 = arith.addf %add3A_562, %add3A_563 : vector<16xf32>
    %swap3A_565 = arith.constant 480 : index
    %swap3A_566 = tpu.vector_load %arg14[%swap3A_565] {strides = array<i32>} : memref<512xf32, #tpu.memory_space<vmem>>, vector<16xf32>,
    tpu.vector_store %arg14[%swap3A_565], %add3A_564 {strides = array<i32>} : memref<512xf32, #tpu.memory_space<vmem>>, vector<16xf32>,
    %get3A_567 = arith.constant 496 : index
    %get3A_568 = tpu.vector_load %arg11[%get3A_567] {strides = array<i32>} : memref<512xf32, #tpu.memory_space<vmem>>, vector<16xf32>,
    %get3A_569 = arith.constant 496 : index
    %get3A_570 = tpu.vector_load %arg12[%get3A_569] {strides = array<i32>} : memref<512xf32, #tpu.memory_space<vmem>>, vector<16xf32>,
    %add3A_571 = arith.addf %get3A_568, %get3A_570 : vector<16xf32>
    %get3A_572 = arith.constant 496 : index
    %get3A_573 = tpu.vector_load %arg13[%get3A_572] {strides = array<i32>} : memref<512xf32, #tpu.memory_space<vmem>>, vector<16xf32>,
    %add3A_574 = arith.addf %add3A_571, %get3A_573 : vector<16xf32>
    %add3A_575 = vector.broadcast %squeeze3A : f32 to vector<16xf32>
    %add3A_576 = arith.addf %add3A_574, %add3A_575 : vector<16xf32>
    %swap3A_577 = arith.constant 496 : index
    %swap3A_578 = tpu.vector_load %arg14[%swap3A_577] {strides = array<i32>} : memref<512xf32, #tpu.memory_space<vmem>>, vector<16xf32>,
    tpu.vector_store %arg14[%swap3A_577], %add3A_576 {strides = array<i32>} : memref<512xf32, #tpu.memory_space<vmem>>, vector<16xf32>,
    "tpu.region"() ({
      %run_scoped3A_579 = tpu.sem_alloc : memref<!tpu.dma_semaphore, #tpu.memory_space<semaphore_mem>>
      %dma_start3A_580 = tpu.memref_slice %arg7[%mul3A_2] : memref<16384xf32, #tpu.memory_space<hbm>> -> memref<512xf32, #tpu.memory_space<hbm>>
      %dma_start3A_581 = tpu.memref_slice %arg7[%mul3A_2] : memref<16384xf32, #tpu.memory_space<hbm>> -> memref<512xf32, #tpu.memory_space<hbm>>
      tpu.enqueue_dma source(%arg14 : memref<512xf32, #tpu.memory_space<vmem>>) target(%dma_start3A_581 : memref<512xf32, #tpu.memory_space<hbm>>) target_semaphore(%run_scoped3A_579 : memref<!tpu.dma_semaphore, #tpu.memory_space<semaphore_mem>>)
      %dma_wait3A_582 = tpu.memref_slice %arg7[%mul3A_2] : memref<16384xf32, #tpu.memory_space<hbm>> -> memref<512xf32, #tpu.memory_space<hbm>>
      %dma_wait3A_583 = tpu.memref_slice %arg7[%mul3A_2] : memref<16384xf32, #tpu.memory_space<hbm>> -> memref<512xf32, #tpu.memory_space<hbm>>
      tpu.wait_dma2 semaphore(%run_scoped3A_579 : memref<!tpu.dma_semaphore, #tpu.memory_space<semaphore_mem>>) src(%arg14 : memref<512xf32, #tpu.memory_space<vmem>>) dst(%dma_wait3A_583 : memref<512xf32, #tpu.memory_space<hbm>>)
      tpu.yield
    }) : () -> ()
    return
  }
}

module attributes {stable_mosaic.version = 14 : i64} {
  func.func @_p1_body(%arg0: i32, %arg1: memref<32x24576xf32, #tpu.memory_space<vmem>>, %arg2: memref<32x24576xf32, #tpu.memory_space<vmem>>, %arg3: memref<2x32xf32, #tpu.memory_space<vmem>>, %arg4: memref<1x32xf32, #tpu.memory_space<vmem>>, %arg5: memref<24576xf32, #tpu.memory_space<vmem>>, %arg6: memref<24576xf32, #tpu.memory_space<vmem>>, %arg7: memref<24576xf32, #tpu.memory_space<vmem>>) attributes {dimension_semantics = [#tpu.dimension_semantics<arbitrary>], iteration_bounds = array<i64: 41>, scalar_prefetch = 0 : i64, scratch_operands = 0 : i64, tpu.core_type = #tpu.core_type<tc>, window_params = [{transform_indices = @transform_0, window_bounds = array<i64: 32, 24576>}, {transform_indices = @transform_1, window_bounds = array<i64: 32, 24576>}, {pipeline_mode = #tpu.pipeline_mode<synchronous>, transform_indices = @transform_2, window_bounds = array<i64: 2, 32>}, {pipeline_mode = #tpu.pipeline_mode<synchronous>, transform_indices = @transform_3, window_bounds = array<i64: 1, 32>}, {transform_indices = @transform_4, window_bounds = array<i64: 24576>}, {transform_indices = @transform_5, window_bounds = array<i64: 24576>}, {transform_indices = @transform_6, window_bounds = array<i64: 24576>}]} {
    %get3A = arith.constant 0 : index
    %get3A_0 = arith.constant 0 : index
    %get3A_1 = vector.load %arg3[%get3A, %get3A_0] : memref<2x32xf32, #tpu.memory_space<vmem>>, vector<2x32xf32>
    %get3A_2 = arith.constant 0 : index
    %get3A_3 = arith.constant 0 : index
    %get3A_4 = vector.load %arg1[%get3A_2, %get3A_3] : memref<32x24576xf32, #tpu.memory_space<vmem>>, vector<32x24576xf32>
    %dot_general3A = arith.constant dense<0.000000e+00> : vector<2x24576xf32>
    %dot_general3A_5 = tpu.matmul %get3A_1, %get3A_4, %dot_general3A {dimension_numbers = #tpu.dot_dimension_numbers<[1], [0], [0], [1], [0, 0, 1, 1], [], []>, transpose_lhs_hint = false} : vector<2x32xf32>, vector<32x24576xf32>, vector<2x24576xf32> -> vector<2x24576xf32>
    %slice3A = vector.extract_strided_slice %dot_general3A_5 {offsets = [0, 0], sizes = [1, 24576], strides = [1, 1]} : vector<2x24576xf32> to vector<1x24576xf32>
    %squeeze3A = vector.shape_cast %slice3A : vector<1x24576xf32> to vector<24576xf32>
    %swap3A = arith.constant 0 : index
    %swap3A_6 = vector.load %arg5[%swap3A] : memref<24576xf32, #tpu.memory_space<vmem>>, vector<24576xf32>
    tpu.vector_store %arg5[%swap3A], %squeeze3A {strides = array<i32>} : memref<24576xf32, #tpu.memory_space<vmem>>, vector<24576xf32>,
    %slice3A_7 = vector.extract_strided_slice %dot_general3A_5 {offsets = [1, 0], sizes = [1, 24576], strides = [1, 1]} : vector<2x24576xf32> to vector<1x24576xf32>
    %squeeze3A_8 = vector.shape_cast %slice3A_7 : vector<1x24576xf32> to vector<24576xf32>
    %swap3A_9 = arith.constant 0 : index
    %swap3A_10 = vector.load %arg6[%swap3A_9] : memref<24576xf32, #tpu.memory_space<vmem>>, vector<24576xf32>
    tpu.vector_store %arg6[%swap3A_9], %squeeze3A_8 {strides = array<i32>} : memref<24576xf32, #tpu.memory_space<vmem>>, vector<24576xf32>,
    %get3A_11 = arith.constant 0 : index
    %get3A_12 = arith.constant 0 : index
    %get3A_13 = vector.load %arg4[%get3A_11, %get3A_12] : memref<1x32xf32, #tpu.memory_space<vmem>>, vector<1x32xf32>
    %get3A_14 = arith.constant 0 : index
    %get3A_15 = arith.constant 0 : index
    %get3A_16 = vector.load %arg2[%get3A_14, %get3A_15] : memref<32x24576xf32, #tpu.memory_space<vmem>>, vector<32x24576xf32>
    %dot_general3A_17 = arith.constant dense<0.000000e+00> : vector<1x24576xf32>
    %dot_general3A_18 = tpu.matmul %get3A_13, %get3A_16, %dot_general3A_17 {dimension_numbers = #tpu.dot_dimension_numbers<[1], [0], [0], [1], [0, 0, 1, 1], [], []>, transpose_lhs_hint = false} : vector<1x32xf32>, vector<32x24576xf32>, vector<1x24576xf32> -> vector<1x24576xf32>
    %squeeze3A_19 = vector.shape_cast %dot_general3A_18 : vector<1x24576xf32> to vector<24576xf32>
    %swap3A_20 = arith.constant 0 : index
    %swap3A_21 = vector.load %arg7[%swap3A_20] : memref<24576xf32, #tpu.memory_space<vmem>>, vector<24576xf32>
    tpu.vector_store %arg7[%swap3A_20], %squeeze3A_19 {strides = array<i32>} : memref<24576xf32, #tpu.memory_space<vmem>>, vector<24576xf32>,
    return
  }
  func.func @transform_0(%arg0: i32) -> (i32, i32) {
    %c0_i32 = arith.constant 0 : i32
    %c0_i32_0 = arith.constant 0 : i32
    return %c0_i32, %arg0 : i32, i32
  }
  func.func @transform_1(%arg0: i32) -> (i32, i32) {
    %c0_i32 = arith.constant 0 : i32
    %c0_i32_0 = arith.constant 0 : i32
    return %c0_i32, %arg0 : i32, i32
  }
  func.func @transform_2(%arg0: i32) -> (i32, i32) {
    %c0_i32 = arith.constant 0 : i32
    %c0_i32_0 = arith.constant 0 : i32
    %c0_i32_1 = arith.constant 0 : i32
    return %c0_i32, %c0_i32_0 : i32, i32
  }
  func.func @transform_3(%arg0: i32) -> (i32, i32) {
    %c0_i32 = arith.constant 0 : i32
    %c0_i32_0 = arith.constant 0 : i32
    %c0_i32_1 = arith.constant 0 : i32
    return %c0_i32, %c0_i32_0 : i32, i32
  }
  func.func @transform_4(%arg0: i32) -> i32 {
    %c0_i32 = arith.constant 0 : i32
    return %arg0 : i32
  }
  func.func @transform_5(%arg0: i32) -> i32 {
    %c0_i32 = arith.constant 0 : i32
    return %arg0 : i32
  }
  func.func @transform_6(%arg0: i32) -> i32 {
    %c0_i32 = arith.constant 0 : i32
    return %arg0 : i32
  }
}

</mosaic_0001>

<sc_bundles>
// kernel: _triple_score.4.cloned.1.call-start
scs
__scs_entry_jumppad:
0x0: {  	(pc) =	sbr.rel $0x88, $3  }
0x1: {  	(tag) =	ssettag $0x0;
	lr =	simm.s32 $0x1  }
0x2: {  	[smem:$0x3F9B] =	sst lr;
	_ =	strace $0xD0000000  }
0x3: {  	_ = 	snop  }
0x4: {  	_ = 	snop  }
0x5: {  	_ = 	snop  }
0x6: {  	_ = 	snop  }
0x7: {  	_ = 	snop  }
__scs_overlays_trampoline_lowered:
0x8: {  	[smem:$0x3FAA] =	sst s0  }
0x9: {  	[smem:$0x3FAB] =	sst s1  }
0xa: {  	[smem:$0x3FAC] =	sst s2  }
0xb: {  	[smem:$0x3FAD] =	sst s3  }
0xc: {  	[smem:$0x3FAE] =	sst s4  }
0xd: {  	[smem:$0x3FAF] =	sst s5  }
0xe: {  	[smem:$0x3FB0] =	sst s6  }
0xf: {  	[smem:$0x3FB1] =	sst s7  }
0x10: {  	[smem:$0x3FB2] =	sst s8  }
0x11: {  	[smem:$0x3FB3] =	sst s9;
	s0 =	simm.s32 @!p0 $0x0  }
0x12: {  	s1 =	sld [smem:$0x3F99];
	s0 =	simm.s32 @p0 $0x1  }
0x13: {  	[smem:$0x3FB4] =	sst s0;
	s0 =	simm.s32 @!p1 $0x0  }
0x14: {  	s2 =	sld [smem:$0x3F98];
	s0 =	simm.s32 @p1 $0x1  }
0x15: {  	[smem:$0x3FB5] =	sst s0;
	s0 =	simm.s32 @!p2 $0x0  }
0x16: {  	s3 =	sld [smem:$0x3FDB];
	s0 =	simm.s32 @p2 $0x1  }
0x17: {  	s4 =	simm.s32 $0x1BF5;
	[smem:$0x3FB7] =	sst s0  }
0x18: {  	s0 =	sld [smem:$0x3F9A];
	_ =	swait.ge [sflag:s4], $0x0  }
0x19: {  	s7 =	sld [smem:$0x3F9B]  }
0x1a: {  	s8 =	sadd.s32 $0xFFFFE003, lr  }
0x1b: {  	s9 =	sadd.s32 $0xFFFFFEF7, lr;
	s5 =	simm.s32 $0xFFFFFFFF;
	p2 =	slt.u32 s8, $0xFFFFF086  }
0x1c: {  	p1 =	slt.u32 s9, $0xF7A;
	s5 =	simm.s32 @!p2 $0x0  }
0x1d: {  	s5 =	simm.s32 @p1 $0x1;
	p0 =	seq.s32 s7, s2  }
0x1e: {  	s7 =	smul.u32 @!p0 $0xF7A, s2;
	p2 =	seq.s32 @!p0 s5, $0x0  }
0x1f: {  	s9 =	smul.u32 $0xF7A, s1;
	s8 =	simm.s32 @!p0 $0x1BF5;
	p2 =	por !p2, p0  }
0x20: {  	[sflag:s8] =	ssyncset.s32 @!p0 $0xFFFFF086;
	s6 =	sadd.s32 @!p0 s3, s7;
	s7 =	simm.s32 @!p0 $0x108  }
0x21: {  	s3 =	sadd.s32 s3, s9;
	s6 =	sadd.s32 @!p0 $0x88, s6;
	s7 =	simm.s32 @p2 $0x1082  }
0x22: {  	[simem:s7], [sflag:s8] =	dma.local @!p0 [hbm:s6], $0xF7A  }
0x23: {  	s9 =	sor.u32 $0xD0000000, s2;
	s6 =	simm.s32 $0x108;
	_ =	swait.ge @!p0 [sflag:s8], $0x0  }
0x24: {  	s3 =	sadd.s32 $0x88, s3;
	s6 =	simm.s32 @!p1 $0x1082;
	[sflag:s4] =	ssyncset.s32 $0xFFFFF086  }
0x25: {  	[simem:s6], [sflag:s4] =	dma.local [hbm:s3], $0xF7A  }
0x26: {  	[smem:$0x3F9B] =	sst s1;
	(tag) =	ssettag s2;
	_ =	strace s9  }
0x27: {  	s1 =	sld [smem:$0x3FAB]  }
0x28: {  	s2 =	sld [smem:$0x3FAC]  }
0x29: {  	s4 =	sld [smem:$0x3FAE]  }
0x2a: {  	p0 =	seq.s32 s5, $0x0;
	s5 =	sld [smem:$0x3FAF]  }
0x2b: {  	s6 =	sld [smem:$0x3FB0]  }
0x2c: {  	s7 =	sld [smem:$0x3FB1]  }
0x2d: {  	s3 =	simm.s32 $0x108;
	s8 =	sld [smem:$0x3FB2]  }
0x2e: {  	s3 =	simm.s32 @!p0 $0x1082;
	s9 =	sld [smem:$0x3FB3]  }
0x2f: {  	lr =	sadd.s32 s0, s3;
	s0 =	sld [smem:$0x3FAA]  }
0x30: {  	s3 =	sld [smem:$0x3FAD]  }
0x31: {  	[smem:$0x3FB6] =	sst s10  }
0x32: {  	s10 =	sld [smem:$0x3FB4];
	_ =	sdelay $0x3  }
0x33: {  	p0 =	seq.s32 s10, $0x1;
	s10 =	sld [smem:$0x3FB6];
	_ =	sdelay $0x3  }
0x34: {  	[smem:$0x3FB6] =	sst s10  }
0x35: {  	s10 =	sld [smem:$0x3FB5];
	_ =	sdelay $0x3  }
0x36: {  	p1 =	seq.s32 s10, $0x1;
	s10 =	sld [smem:$0x3FB6];
	_ =	sdelay $0x3  }
0x37: {  	[smem:$0x3FB6] =	sst s10  }
0x38: {  	s10 =	sld [smem:$0x3FB7]  }
0x39: {  	_ = 	snop;
	(pc) =	sbr.ind lr, $3  }
0x3a: {  	_ = 	snop  }
0x3b: {  	_ = 	snop  }
0x3c: {  	p2 =	seq.s32 s10, $0x1;
	s10 =	sld [smem:$0x3FB6]  }
0x3d: {  	_ =	shalt  }
0x3e: {  	_ =	shalt  }
0x3f: {  	_ =	shalt  }
0x40: {  	_ =	shalt  }
0x41: {  	_ =	shalt  }
0x42: {  	_ =	shalt  }
0x43: {  	_ =	shalt  }
0x44: {  	_ =	shalt  }
0x45: {  	_ =	shalt  }
0x46: {  	_ =	shalt  }
0x47: {  	_ =	shalt  }
0x48: {  	_ =	shalt  }
0x49: {  	_ =	shalt  }
0x4a: {  	_ =	shalt  }
0x4b: {  	_ =	shalt  }
0x4c: {  	_ =	shalt  }
0x4d: {  	_ =	shalt  }
0x4e: {  	_ =	shalt  }
0x4f: {  	_ =	shalt  }
0x50: {  	_ =	shalt  }
0x51: {  	_ =	shalt  }
0x52: {  	_ =	shalt  }
0x53: {  	_ =	shalt  }
0x54: {  	_ =	shalt  }
0x55: {  	_ =	shalt  }
0x56: {  	_ =	shalt  }
0x57: {  	_ =	shalt  }
0x58: {  	_ =	shalt  }
0x59: {  	_ =	shalt  }
0x5a: {  	_ =	shalt  }
0x5b: {  	_ =	shalt  }
0x5c: {  	_ =	shalt  }
0x5d: {  	_ =	shalt  }
0x5e: {  	_ =	shalt  }
0x5f: {  	_ =	shalt  }
0x60: {  	_ =	shalt  }
0x61: {  	_ =	shalt  }
0x62: {  	_ =	shalt  }
0x63: {  	_ =	shalt  }
0x64: {  	_ =	shalt  }
0x65: {  	_ =	shalt  }
0x66: {  	_ =	shalt  }
0x67: {  	_ =	shalt  }
0x68: {  	_ =	shalt  }
0x69: {  	_ =	shalt  }
0x6a: {  	_ =	shalt  }
0x6b: {  	_ =	shalt  }
0x6c: {  	_ =	shalt  }
0x6d: {  	_ =	shalt  }
0x6e: {  	_ =	shalt  }
0x6f: {  	_ =	shalt  }
0x70: {  	_ =	shalt  }
0x71: {  	_ =	shalt  }
0x72: {  	_ =	shalt  }
0x73: {  	_ =	shalt  }
0x74: {  	_ =	shalt  }
0x75: {  	_ =	shalt  }
0x76: {  	_ =	shalt  }
0x77: {  	_ =	shalt  }
0x78: {  	_ =	shalt  }
0x79: {  	_ =	shalt  }
0x7a: {  	_ =	shalt  }
0x7b: {  	_ =	shalt  }
0x7c: {  	_ =	shalt  }
0x7d: {  	_ =	shalt  }
0x7e: {  	_ =	shalt  }
0x7f: {  	_ =	shalt  }
0x80: {  	_ =	shalt  }
0x81: {  	_ =	shalt  }
0x82: {  	_ =	shalt  }
0x83: {  	_ =	shalt  }
0x84: {  	_ =	shalt  }
0x85: {  	_ =	shalt  }
0x86: {  	_ =	shalt  }
0x87: {  	_ =	shalt  }
.Lfunc_end0:
.L_simem_size_0:
called_computation_lowered:
.L_overlay_start_0:
0x88: {  	s2 =	sld [smem:$0x3FD9]  }
0x89: {  	s3 =	sld [smem:$0x3FFE];
	_ =	sdelay $0x1  }
0x8a: {  	s1 =	srdreg.scid  }
0x8b: {  	s0 =	sand.u32 $0x1, s1  }
0x8c: {  	s17 =	sshll.u32 s0, $0xA;
	s2 =	sadd.s32 s3, s2  }
0x8d: {  	s2 =	sadd.s32 s2, s17  }
0x8e: {  	[smem:$0x3FC2] =	sst s2  }
0x8f: {  	_ = 	snop  }
0x90: {  	s2 =	sld [smem:$0x3FC9]  }
0x91: {  	s18 =	sld [smem:$0x3FC4]  }
0x92: {  	s4 =	sld [smem:$0x3FD0];
	(tm) =	ssettm $0x1  }
0x93: {  	s5 =	sld [smem:$0x3FFB];
	_ =	sdelay $0x3  }
0x94: {  	_ =	strace s5  }
0x95: {  	s5 =	sld [smem:$0x3FFC];
	_ =	sdelay $0x3  }
0x96: {  	_ =	strace s5  }
0x97: {  	s5 =	sld [smem:$0x3FFD];
	_ =	sdelay $0x3  }
0x98: {  	_ =	strace s5  }
0x99: {  	_ =	strace $0x8FFFFFFF  }
0x9a: {  	s19 =	sld [smem:$0x3FDB];
	_ =	sdelay $0x1  }
0x9b: {  	s6 =	simm.s32 $_scs_section_size  }
0x9c: {  	s7 =	simm.s32 $_size__tile_overlayer_lowered;
	s8 =	simm.s32 $_tile_overlayer_lowered  }
0x9d: {  	s22 =	simm.s32 $0x1BFF;
	s21 =	sshll.u32 s8, $0x1;
	s5 =	sadd.s32 s6, s19  }
0x9e: {  	s9 =	simm.s32 $0x0;
	s20 =	sshll.u32 s7, $0x1;
	s7 =	sadd.s32 s21, s5  }
0x9f: {  	[timem:s9], [sflag:s22] =	dma.local [hbm:s7], s20  }
0xa0: {  	_ =	swait.ge [sflag:s22], s20  }
0xa1: {  	s6 =	ssub.s32 $0x0, s20;
	[sflag:s22] =	ssyncset.done $0x0  }
0xa2: {  	[sflag:s22] =	ssyncadd.s32 s6;
	_ =	sdelay $0x1  }
0xa3: {  	s23 =	simm.s32 $0x1B8B  }
0xa4: {  	_ =	swait.ge [sflag:s23], $0x1  }
0xa5: {  	[sflag:s23] =	ssyncset.done $0x0  }
0xa6: {  	s25 =	simm.s32 $0x1B8E;
	s24 =	sld [smem:$0x3FFE];
	[sflag:s23] =	ssyncadd.s32 $0xFFFFFFFF  }
0xa7: {  	s26 =	simm.s32 $execute0_lowered;
	[smem:$0x3FD2] =	sst s25  }
0xa8: {  	s7 =	sshll.u32 s26, $0x1;
	_ =	strace $0x80000046;
	[dreg:$0x1] =	wrdreg $0xFFFFFFFF  }
0xa9: {  	s28 =	simm.s32 $_size_execute0_lowered;
	s5 =	sadd.s32 s5, s7;
	[dreg:$0x0] =	wrdreg $0x0  }
0xaa: {  	s7 =	sshll.u32 s28, $0x1;
	[dreg:$0x2] =	wrdreg s5  }
0xab: {  	[dreg:$0x3] =	wrdreg s7  }
0xac: {  	[dreg:$0x4] =	wrdreg $0xC0  }
0xad: {  	_ =	task [dreg:s9], $0x5FFFF  }
0xae: {  	[dreg:$0x1] =	wrdreg $0xFFFFFFFF  }
0xaf: {  	[dreg:$0x0] =	wrdreg $0x60  }
0xb0: {  	[dreg:$0x2] =	wrdreg s2  }
0xb1: {  	[dreg:$0x3] =	wrdreg s24  }
0xb2: {  	[dreg:$0x4] =	wrdreg s18  }
0xb3: {  	[dreg:$0x5] =	wrdreg s4  }
0xb4: {  	[dreg:$0x6] =	wrdreg $0x9  }
0xb5: {  	_ =	task.clear_ibuf [dreg:s9], $0x7FFFF;
	_ =	strace $0x90000046  }
0xb6: {  	s29 =	simm.s32 $0x9;
	_ =	strace $0x80000048  }
0xb7: {  	_ =	swait.ge [sflag:s29], $0x1  }
0xb8: {  	[sflag:s29] =	ssyncadd.s32 $0xFFFFFFFF  }
0xb9: {  	_ =	strace $0x90000048  }
0xba: {  	_ =	sfence  }
0xbb: {  	s30 =	sld [smem:$0x0];
	_ =	sdelay $0x2  }
0xbc: {  	s31 =	sshll.u32 s1, $0xD;
	s1 =	sshrl.u32 s1, $0x2  }
0xbd: {  	s3 =	sand.u32 $0x4000, s31;
	s1 =	sadd.s32 s1, s30  }
0xbe: {  	s0 =	sor.u32 s3, s0;
	s1 =	sshll.u32 s1, $0x11  }
0xbf: {  	s0 =	sor.u32 s1, s0  }
0xc0: {  	s0 =	sadd.s32 $0x8F2B, s0  }
0xc1: {  	[sflag:s0] =	ssyncadd.remote.s32 $0x1  }
0xc2: {  	_ =	sfence.sel $0xFFFF  }
0xc3: {  	[dreg:$0x0] =	wrdreg $0xFFFFFFFF;
	(pc) =	sbr.abs _section_cstart, $3  }
0xc4: {  	[dreg:$0x1] =	wrdreg $0xFFFFFFFF  }
0xc5: {  	_ =	task.clear_ibuf [dreg:s9], $0x2FFFF;
	_ =	strace $0x9FFFFFFF  }
0xc6: {  	(tm) =	ssettm $0x7FFFFFFF  }
0xc7: {  	_ =	shalt  }
tec
execute0_lowered:
.L_overlay_start_1:
0x0: {  	(tag) =	ssettag $0x1  }
0x1: {  	s0 =	rddreg [dreg:$0x0]  }
0x2: {  	s6 =	rddreg [dreg:$0x1]  }
0x3: {  	s1 =	rddreg [dreg:$0x2]  }
0x4: {  	s7 =	rddreg [dreg:$0x3]  }
0x5: {  	s2 =	srdreg.scid;
	s20 =	stileid.u32  }
0x6: {  	s24 =	simm.s32 $0xE00;
	s25 =	simm.s32 $0x600;
	s11 =	simm.s32 $0x80  }
0x7: {  	s26 =	simm.s32 $0x800;
	s13 =	simm.s32 $0x680;
	s14 =	simm.s32 $0x280  }
0x8: {  	s15 =	simm.s32 $0x880;
	s16 =	simm.s32 $0x480;
	s17 =	simm.s32 $0xA80  }
0x9: {  	s18 =	simm.s32 $0x100;
	s19 =	simm.s32 $0x700;
	s28 =	simm.s32 $0x980  }
0xa: {  	s29 =	simm.s32 $0x580;
	s30 =	simm.s32 $0xB80;
	s31 =	simm.s32 $0x1  }
0xb: {  	[dreg:$0x5] =	wrdreg s1;
	s8 =	sand.u32 $0x1, s2;
	s2 =	simm.s32 $0x0  }
0xc: {  	s3 =	sshll.u32 s20, $0x7;
	s5 =	sadd.s32 $0x3E400, s6;
	s20 =	simm.s32 $0x300  }
0xd: {  	s4 =	sshll.u32 s8, $0x6;
	[smem:$0x7FF] =	sst s2;
	s21 =	ssub.s32 $0x2, s8  }
0xe: {  	s8 =	simm.s32 $0x2;
	_ =	strace $0x80000047;
	[dreg:$0x9] =	wrdreg s24  }
0xf: {  	s9 =	sor.u32 s4, s3;
	s3 =	sadd.s32 $0x1000, s6;
	[dreg:$0xa] =	wrdreg s25  }
0x10: {  	s10 =	sshrl.u32 s21, $0x1;
	s6 =	sadd.s32 $0x1FA00, s6;
	[dreg:$0xb] =	wrdreg s26  }
0x11: {  	s24 =	simm.s32 $0x180;
	s25 =	simm.s32 $0x780;
	s26 =	simm.s32 $0x380  }
0x12: {  	s4 =	sadd.s32 s0, s9;
	s0 =	ssub.s32 s21, s10;
	s7 =	sadd.s32 s7, s9  }
0x13: {  	s9 =	simm.s32 $0x200;
	s10 =	simm.s32 $0x400;
	s21 =	simm.s32 $0x900  }
0x14: {  	s22 =	sadd.s32 $0x800, s4;
	s23 =	sadd.s32 $0x1000, s4;
	[dreg:$0x8] =	wrdreg s7  }
0x15: {  	s7 =	smax.u32 s0, $0x1;
	s0 =	simm.s32 $0xC00;
	[dreg:$0x6] =	wrdreg s22  }
0x16: {  	[dreg:$0x7] =	wrdreg s23;
	s22 =	simm.s32 $0x500;
	s23 =	simm.s32 $0xB00  }
.LBB2_1:
0x17: {  	[tilespmem:s2], [sflag:$0x2] =	stream.linear.gather [hbm4b:s4+s2], $0x200, $0x38;
	[tilespmem:$0xE10] =	vst v63  }
0x18: {  	_ =	swait.ge [sflag:s8], $0x200  }
0x19: {  	[sflag:s8] =	ssyncset.done $0x0  }
0x1a: {  	s1 =	rddreg [dreg:$0x6];
	[sflag:s8] =	ssyncadd.s32 $0xFFFFFE00  }
0x1b: {  	[tilespmem:s9], [sflag:$0x2] =	stream.linear.gather [hbm4b:s1+s2], $0x200, $0x38;
	[tilespmem:$0xE10] =	vst v63  }
0x1c: {  	_ =	swait.ge [sflag:s8], $0x200  }
0x1d: {  	[sflag:s8] =	ssyncset.done $0x0  }
0x1e: {  	s12 =	rddreg [dreg:$0x7];
	[sflag:s8] =	ssyncadd.s32 $0xFFFFFE00  }
0x1f: {  	[tilespmem:s10], [sflag:$0x2] =	stream.linear.gather [hbm4b:s12+s2], $0x200, $0x38;
	[tilespmem:$0xE10] =	vst v63  }
0x20: {  	_ =	swait.ge [sflag:s8], $0x200  }
0x21: {  	s1 =	rddreg [dreg:$0x5];
	[sflag:s8] =	ssyncset.done $0x0  }
0x22: {  	s12 =	rddreg [dreg:$0x9];
	[sflag:s8] =	ssyncadd.s32 $0xFFFFFE00  }
0x23: {  	[tilespmem:s12], [sflag:$0x2] =	stream.linear.gather [hbm4b:s1+s2], $0x10, $0x38;
	[tilespmem:$0xE10] =	vst v63  }
0x24: {  	_ =	swait.ge [sflag:s8], $0x10  }
0x25: {  	[sflag:s8] =	ssyncset.done $0x0  }
0x26: {  	s1 =	rddreg [dreg:$0xa];
	[sflag:s8] =	ssyncadd.s32 $0xFFFFFFF0  }
0x27: {  	[tilespmem:s1], [sflag:$0x1] =	stream.indirect.gather [hbm4b:s3+s11], $0x1, s2, s11, $0xb8;
	[tilespmem:$0xE10] =	vst v63  }
0x28: {  	s12 =	rddreg [dreg:$0xb]  }
0x29: {  	[tilespmem:s12], [sflag:$0x1] =	stream.indirect.gather [hbm4b:s5+s11], $0x1, s9, s11, $0xb8;
	[tilespmem:$0xE10] =	vst v63  }
0x2a: {  	s12 =	simm.s32 $0xA00  }
0x2b: {  	[tilespmem:s12], [sflag:$0x1] =	stream.indirect.gather [hbm4b:s6+s11], $0x1, s10, s11, $0xb8;
	[tilespmem:$0xE10] =	vst v63  }
0x2c: {  	_ = 	snop  }
0x2d: {  	[tilespmem:s13], [sflag:$0x1] =	stream.indirect.gather [hbm4b:s3+s11], $0x1, s11, s11, $0xb8;
	[tilespmem:$0xE10] =	vst v63  }
0x2e: {  	_ = 	snop  }
0x2f: {  	[tilespmem:s15], [sflag:$0x1] =	stream.indirect.gather [hbm4b:s5+s11], $0x1, s14, s11, $0xb8;
	[tilespmem:$0xE10] =	vst v63  }
0x30: {  	_ = 	snop  }
0x31: {  	[tilespmem:s17], [sflag:$0x1] =	stream.indirect.gather [hbm4b:s6+s11], $0x1, s16, s11, $0xb8;
	[tilespmem:$0xE10] =	vst v63  }
0x32: {  	_ = 	snop  }
0x33: {  	[tilespmem:s19], [sflag:$0x1] =	stream.indirect.gather [hbm4b:s3+s11], $0x1, s18, s11, $0xb8;
	[tilespmem:$0xE10] =	vst v63  }
0x34: {  	_ = 	snop  }
0x35: {  	[tilespmem:s21], [sflag:$0x1] =	stream.indirect.gather [hbm4b:s5+s11], $0x1, s20, s11, $0xb8;
	[tilespmem:$0xE10] =	vst v63  }
0x36: {  	_ = 	snop  }
0x37: {  	[tilespmem:s23], [sflag:$0x1] =	stream.indirect.gather [hbm4b:s6+s11], $0x1, s22, s11, $0xb8;
	[tilespmem:$0xE10] =	vst v63  }
0x38: {  	_ = 	snop  }
0x39: {  	[tilespmem:s25], [sflag:$0x1] =	stream.indirect.gather [hbm4b:s3+s11], $0x1, s24, s11, $0xb8;
	[tilespmem:$0xE10] =	vst v63  }
0x3a: {  	_ = 	snop  }
0x3b: {  	[tilespmem:s28], [sflag:$0x1] =	stream.indirect.gather [hbm4b:s5+s11], $0x1, s26, s11, $0xb8;
	[tilespmem:$0xE10] =	vst v63  }
0x3c: {  	_ = 	snop  }
0x3d: {  	[tilespmem:s30], [sflag:$0x1] =	stream.indirect.gather [hbm4b:s6+s11], $0x1, s29, s11, $0xb8;
	[tilespmem:$0xE10] =	vst v63  }
0x3e: {  	_ =	swait.ge [sflag:s31], $0x80  }
0x3f: {  	[sflag:s31] =	ssyncset.done $0x0  }
0x40: {  	[sflag:s31] =	ssyncadd.s32 $0xFFFFFF80  }
0x41: {  	_ =	swait.ge [sflag:s31], $0x80  }
0x42: {  	[sflag:s31] =	ssyncset.done $0x0  }
0x43: {  	[sflag:s31] =	ssyncadd.s32 $0xFFFFFF80  }
0x44: {  	_ =	swait.ge [sflag:s31], $0x80  }
0x45: {  	[sflag:s31] =	ssyncset.done $0x0  }
0x46: {  	[sflag:s31] =	ssyncadd.s32 $0xFFFFFF80  }
0x47: {  	_ =	swait.ge [sflag:s31], $0x80  }
0x48: {  	[sflag:s31] =	ssyncset.done $0x0  }
0x49: {  	[sflag:s31] =	ssyncadd.s32 $0xFFFFFF80  }
0x4a: {  	_ =	swait.ge [sflag:s31], $0x80  }
0x4b: {  	[sflag:s31] =	ssyncset.done $0x0  }
0x4c: {  	[sflag:s31] =	ssyncadd.s32 $0xFFFFFF80  }
0x4d: {  	_ =	swait.ge [sflag:s31], $0x80  }
0x4e: {  	[sflag:s31] =	ssyncset.done $0x0  }
0x4f: {  	[sflag:s31] =	ssyncadd.s32 $0xFFFFFF80  }
0x50: {  	_ =	swait.ge [sflag:s31], $0x80  }
0x51: {  	[sflag:s31] =	ssyncset.done $0x0  }
0x52: {  	[sflag:s31] =	ssyncadd.s32 $0xFFFFFF80  }
0x53: {  	_ =	swait.ge [sflag:s31], $0x80  }
0x54: {  	[sflag:s31] =	ssyncset.done $0x0  }
0x55: {  	[sflag:s31] =	ssyncadd.s32 $0xFFFFFF80  }
0x56: {  	_ =	swait.ge [sflag:s31], $0x80  }
0x57: {  	[sflag:s31] =	ssyncset.done $0x0  }
0x58: {  	[sflag:s31] =	ssyncadd.s32 $0xFFFFFF80  }
0x59: {  	_ =	swait.ge [sflag:s31], $0x80  }
0x5a: {  	[sflag:s31] =	ssyncset.done $0x0  }
0x5b: {  	[sflag:s31] =	ssyncadd.s32 $0xFFFFFF80  }
0x5c: {  	_ =	swait.ge [sflag:s31], $0x80  }
0x5d: {  	[sflag:s31] =	ssyncset.done $0x0  }
0x5e: {  	[sflag:s31] =	ssyncadd.s32 $0xFFFFFF80  }
0x5f: {  	_ =	swait.ge [sflag:s31], $0x80  }
0x60: {  	[sflag:s31] =	ssyncset.done $0x0  }
0x61: {  	[sflag:s31] =	ssyncadd.s32 $0xFFFFFF80  }
0x62: {  	v1 =	vld [tilespmem:$0x600]  }
0x63: {  	v2 =	vld [tilespmem:$0x800]  }
0x64: {  	v3 =	vld [tilespmem:$0xA00]  }
0x65: {  	v0 =	vld.msk [tilespmem:$0xE00 ss:$0x0], $0xffff  }
0x66: {  	v4 =	vld [tilespmem:$0x610]  }
0x67: {  	v5 =	vld [tilespmem:$0x810]  }
0x68: {  	v6 =	vld [tilespmem:$0xA10]  }
0x69: {  	v7 =	vld [tilespmem:$0x620]  }
0x6a: {  	v8 =	vld [tilespmem:$0x820]  }
0x6b: {  	v9 =	vld [tilespmem:$0xA20]  }
0x6c: {  	v10 =	vld [tilespmem:$0x630]  }
0x6d: {  	v11 =	vld [tilespmem:$0x830]  }
0x6e: {  	v12 =	vld [tilespmem:$0xA30]  }
0x6f: {  	v13 =	vld [tilespmem:$0x640]  }
0x70: {  	v14 =	vld [tilespmem:$0x840]  }
0x71: {  	v15 =	vld [tilespmem:$0xA40]  }
0x72: {  	v16 =	vld [tilespmem:$0x650]  }
0x73: {  	v17 =	vld [tilespmem:$0x850]  }
0x74: {  	v18 =	vld [tilespmem:$0xA50]  }
0x75: {  	v19 =	vld [tilespmem:$0x660]  }
0x76: {  	v20 =	vld [tilespmem:$0x860]  }
0x77: {  	v21 =	vld [tilespmem:$0xA60]  }
0x78: {  	v22 =	vld [tilespmem:$0x670]  }
0x79: {  	v23 =	vld [tilespmem:$0x870]  }
0x7a: {  	v24 =	vld [tilespmem:$0xA70]  }
0x7b: {  	v25 =	vld [tilespmem:$0x680]  }
0x7c: {  	v26 =	vld [tilespmem:$0x880]  }
0x7d: {  	v27 =	vld [tilespmem:$0xA80]  }
0x7e: {  	v28 =	vld [tilespmem:$0x690]  }
0x7f: {  	v29 =	vld [tilespmem:$0x890]  }
0x80: {  	v30 =	vld [tilespmem:$0xA90]  }
0x81: {  	v31 =	vld [tilespmem:$0x6A0]  }
0x82: {  	v32 =	vld [tilespmem:$0x8A0]  }
0x83: {  	v33 =	vld [tilespmem:$0xAA0]  }
0x84: {  	v34 =	vld [tilespmem:$0x6B0]  }
0x85: {  	v35 =	vld [tilespmem:$0x8B0]  }
0x86: {  	v36 =	vld [tilespmem:$0xAB0]  }
0x87: {  	v37 =	vld [tilespmem:$0x6C0]  }
0x88: {  	v38 =	vld [tilespmem:$0x8C0]  }
0x89: {  	v39 =	vld [tilespmem:$0xAC0]  }
0x8a: {  	v40 =	vld [tilespmem:$0x6D0]  }
0x8b: {  	v41 =	vld [tilespmem:$0x8D0]  }
0x8c: {  	v42 =	vld [tilespmem:$0xAD0]  }
0x8d: {  	v43 =	vld [tilespmem:$0x6E0]  }
0x8e: {  	v44 =	vld [tilespmem:$0x8E0]  }
0x8f: {  	v45 =	vld [tilespmem:$0xAE0]  }
0x90: {  	v46 =	vld [tilespmem:$0x6F0]  }
0x91: {  	v47 =	vld [tilespmem:$0x8F0]  }
0x92: {  	v48 =	vld [tilespmem:$0xAF0]  }
0x93: {  	v49 =	vld [tilespmem:$0x700]  }
0x94: {  	v50 =	vld [tilespmem:$0x900]  }
0x95: {  	v51 =	vld [tilespmem:$0xB00]  }
0x96: {  	v52 =	vld [tilespmem:$0x710]  }
0x97: {  	v53 =	vld [tilespmem:$0x910]  }
0x98: {  	v54 =	vld [tilespmem:$0x750]  }
0x99: {  	v56 =	vld [tilespmem:$0x950];
	v1 =	vadd.f32 v2, v1;
	v4 =	vadd.f32 v5, v4  }
0x9a: {  	v2 =	vld [tilespmem:$0xB10];
	v61 =	vadd.f32 v8, v7;
	v62 =	vadd.f32 v11, v10  }
0x9b: {  	v5 =	vld [tilespmem:$0x720];
	v63 =	vadd.f32 v14, v13;
	v17 =	vadd.f32 v17, v16  }
0x9c: {  	v7 =	vld [tilespmem:$0x920];
	v20 =	vadd.f32 v20, v19;
	v23 =	vadd.f32 v23, v22  }
0x9d: {  	v8 =	vld [tilespmem:$0xB20];
	v26 =	vadd.f32 v26, v25;
	v29 =	vadd.f32 v29, v28  }
0x9e: {  	v10 =	vld [tilespmem:$0x730];
	v32 =	vadd.f32 v32, v31;
	v55 =	vadd.f32 v35, v34  }
0x9f: {  	v14 =	vld [tilespmem:$0xB30];
	v57 =	vadd.f32 v38, v37;
	v58 =	vadd.f32 v41, v40  }
0xa0: {  	v16 =	vld [tilespmem:$0x740];
	v59 =	vadd.f32 v44, v43;
	v60 =	vadd.f32 v47, v46  }
0xa1: {  	v28 =	vld [tilespmem:$0x760];
	v1 =	vadd.f32 v3, v1;
	v4 =	vadd.f32 v6, v4  }
0xa2: {  	v34 =	vld [tilespmem:$0x770];
	v3 =	vadd.f32 v9, v61;
	v6 =	vadd.f32 v12, v62  }
0xa3: {  	v37 =	vld [tilespmem:$0xB70];
	v9 =	vadd.f32 v15, v63;
	v11 =	vadd.f32 v18, v17  }
0xa4: {  	v38 =	vld [tilespmem:$0x780];
	v13 =	vadd.f32 v21, v20;
	v15 =	vadd.f32 v24, v23  }
0xa5: {  	v41 =	vld [tilespmem:$0x980];
	v17 =	vadd.f32 v27, v26;
	v19 =	vadd.f32 v30, v29  }
0xa6: {  	v44 =	vld [tilespmem:$0xB80];
	v21 =	vadd.f32 v33, v32;
	v23 =	vadd.f32 v36, v55  }
0xa7: {  	v46 =	vld [tilespmem:$0x790];
	v25 =	vadd.f32 v39, v57;
	v27 =	vadd.f32 v42, v58  }
0xa8: {  	v35 =	vld [tilespmem:$0x9C0];
	v29 =	vadd.f32 v45, v59;
	v61 =	vadd.f32 v50, v49  }
0xa9: {  	v12 =	vld [tilespmem:$0x930];
	v31 =	vadd.f32 v48, v60;
	v62 =	vadd.f32 v53, v52  }
0xaa: {  	v18 =	vld [tilespmem:$0x940];
	v53 =	vadd.f32 v56, v54;
	v1 =	vadd.f32 v1, v0  }
0xab: {  	v20 =	vld [tilespmem:$0xB40];
	v33 =	vadd.f32 v51, v61;
	v4 =	vadd.f32 v4, v0  }
0xac: {  	v26 =	vld [tilespmem:$0xB50];
	v39 =	vadd.f32 v3, v0;
	v42 =	vadd.f32 v6, v0;
	[tilespmem:$0xC00] =	vst v1  }
0xad: {  	v30 =	vld [tilespmem:$0x960];
	v45 =	vadd.f32 v9, v0;
	v47 =	vadd.f32 v11, v0;
	[tilespmem:$0xC10] =	vst v4  }
0xae: {  	v32 =	vld [tilespmem:$0xB60];
	v49 =	vadd.f32 v13, v0;
	v52 =	vadd.f32 v15, v0;
	[tilespmem:$0xC20] =	vst v39  }
0xaf: {  	v63 =	vld [tilespmem:$0x970];
	v55 =	vadd.f32 v17, v0;
	v57 =	vadd.f32 v19, v0;
	[tilespmem:$0xC30] =	vst v42  }
0xb0: {  	v48 =	vld [tilespmem:$0x990];
	v59 =	vadd.f32 v21, v0;
	v36 =	vadd.f32 v31, v0;
	[tilespmem:$0xC40] =	vst v45  }
0xb1: {  	v54 =	vld [tilespmem:$0x7A0];
	v2 =	vadd.f32 v2, v62;
	v40 =	vadd.f32 v7, v5;
	[tilespmem:$0xC50] =	vst v47  }
0xb2: {  	v56 =	vld [tilespmem:$0x9A0];
	v62 =	vadd.f32 v23, v0;
	v5 =	vadd.f32 v41, v38;
	[tilespmem:$0xC60] =	vst v49  }
0xb3: {  	v58 =	vld [tilespmem:$0xBA0];
	[tilespmem:$0xC70] =	vst v52;
	v38 =	vadd.f32 v33, v0;
	v43 =	vadd.f32 v12, v10  }
0xb4: {  	v24 =	vld [tilespmem:$0x9B0];
	[tilespmem:$0xC80] =	vst v55;
	v3 =	vadd.f32 v8, v40;
	v50 =	vadd.f32 v18, v16  }
0xb5: {  	v51 =	vld [tilespmem:$0xB90];
	[tilespmem:$0xC90] =	vst v57;
	v12 =	vadd.f32 v26, v53;
	v60 =	vadd.f32 v30, v28  }
0xb6: {  	v61 =	vld [tilespmem:$0x7B0];
	[tilespmem:$0xCA0] =	vst v59;
	v63 =	vadd.f32 v63, v34;
	v26 =	vadd.f32 v25, v0  }
0xb7: {  	v41 =	vld [tilespmem:$0x9D0];
	[tilespmem:$0xCF0] =	vst v36;
	v30 =	vadd.f32 v27, v0;
	v34 =	vadd.f32 v29, v0  }
0xb8: {  	v39 =	vld [tilespmem:$0x7D0];
	[tilespmem:$0xCB0] =	vst v62;
	v8 =	vadd.f32 v48, v46;
	v5 =	vadd.f32 v44, v5  }
0xb9: {  	v47 =	vld [tilespmem:$0x7E0];
	v2 =	vadd.f32 v2, v0;
	[tilespmem:$0xD00] =	vst v38;
	v6 =	vadd.f32 v14, v43  }
0xba: {  	v49 =	vld [tilespmem:$0x9E0];
	v10 =	vadd.f32 v20, v50;
	v16 =	vadd.f32 v32, v60;
	[tilespmem:$0xCC0] =	vst v26  }
0xbb: {  	v28 =	vld [tilespmem:$0xBB0];
	v18 =	vadd.f32 v37, v63;
	[tilespmem:$0xCD0] =	vst v30;
	v40 =	vadd.f32 v51, v8  }
0xbc: {  	v44 =	vld [tilespmem:$0xBD0];
	[tilespmem:$0xCE0] =	vst v34;
	v42 =	vadd.f32 v3, v0;
	v43 =	vadd.f32 v56, v54  }
0xbd: {  	v32 =	vld [tilespmem:$0x7C0];
	[tilespmem:$0xD10] =	vst v2;
	v46 =	vadd.f32 v24, v61;
	v50 =	vadd.f32 v12, v0  }
0xbe: {  	v51 =	vld [tilespmem:$0x7F0];
	v57 =	vadd.f32 v5, v0;
	v45 =	vadd.f32 v6, v0;
	[tilespmem:$0xD20] =	vst v42  }
0xbf: {  	v54 =	vld [tilespmem:$0x9F0];
	v48 =	vadd.f32 v10, v0;
	v3 =	vadd.f32 v58, v43;
	[tilespmem:$0xD50] =	vst v50  }
0xc0: {  	v56 =	vld [tilespmem:$0xBE0];
	v52 =	vadd.f32 v16, v0;
	v55 =	vadd.f32 v18, v0;
	[tilespmem:$0xD80] =	vst v57  }
0xc1: {  	v37 =	vld [tilespmem:$0xBC0];
	v7 =	vadd.f32 v41, v39;
	v4 =	vadd.f32 v40, v0;
	[tilespmem:$0xD30] =	vst v45  }
0xc2: {  	v59 =	vld [tilespmem:$0xBF0];
	v61 =	vadd.f32 v49, v47;
	v6 =	vadd.f32 v28, v46;
	[tilespmem:$0xD40] =	vst v48  }
0xc3: {  	[tilespmem:$0xD60] =	vst v52;
	v60 =	vadd.f32 v44, v7;
	v3 =	vadd.f32 v3, v0  }
0xc4: {  	[tilespmem:$0xD70] =	vst v55;
	v53 =	vadd.f32 v35, v32;
	v62 =	vadd.f32 v54, v51  }
0xc5: {  	[tilespmem:$0xD90] =	vst v4;
	v6 =	vadd.f32 v6, v0;
	v1 =	vadd.f32 v56, v61  }
0xc6: {  	[tilespmem:$0xDA0] =	vst v3;
	v2 =	vadd.f32 v60, v0;
	v58 =	vadd.f32 v37, v53  }
0xc7: {  	[tilespmem:$0xDB0] =	vst v6;
	v4 =	vadd.f32 v59, v62;
	v1 =	vadd.f32 v1, v0  }
0xc8: {  	[tilespmem:$0xDD0] =	vst v2;
	v63 =	vadd.f32 v58, v0  }
0xc9: {  	v0 =	vadd.f32 v4, v0;
	[tilespmem:$0xDE0] =	vst v1  }
0xca: {  	p0 =	sne.s32 s7, $0x1;
	[tilespmem:$0xDC0] =	vst v63  }
.Ltmp0:
0xcb: {  	s12 =	rddreg [dreg:$0x8];
	[tilespmem:$0xDF0] =	vst v0;
	(pc) =	sbr.rel @p0 .LBB2_1-.Ltmp0, $4  }
0xcc: {  	[hbm4b:s12+s2] =	stream.linear.scatter [tilespmem:s0], [sflag:$0x2], $0x200, $0x38;
	[tilespmem:$0xE10] =	vst v63  }
0xcd: {  	_ =	swait.ge [sflag:s8], $0x200  }
0xce: {  	[sflag:s8] =	ssyncset.done $0x0  }
0xcf: {  	s7 =	sadd.s32 $0xFFFFFFFF, s7;
	[sflag:s8] =	ssyncadd.s32 $0xFFFFFE00  }
0xd0: {  	_ =	sfence.sel $0x180000  }
0xd1: {  	[bflag:$0x0] =	sbarrier.arrive $0xFFFF  }
0xd2: {  	_ =	strace $0x90000047  }
0xd3: {  	s0 =	stileid.u32;
	[bflag:$0x2] =	sbarrier.arrive $0xFFFF  }
0xd4: {  	p0 =	sne.s32 s0, $0x0;
	s0 =	rddreg [dreg:$0x4]  }
0xd5: {  	s0 =	sadd.s32 @!p0 $0x100000, s0  }
0xd6: {  	[sflag:s0] =	ssyncadd.tile.s32 @!p0 $0x1;
	_ =	shalt  }
.Lfunc_end2:
_tile_overlayer_lowered:
.L_overlay_start_2:
0xd7: {  	(tag) =	ssettag $0x2  }
0xd8: {  	s0 =	rddreg [dreg:$0x0];
	s2 =	stileid.u32  }
0xd9: {  	s1 =	rddreg [dreg:$0x1];
	p0 =	sne.s32 s2, $0x0  }
0xda: {  	s3 =	rddreg [dreg:$0x2];
	[bflag:$0x3] =	sbarrier.arrive $0xFFFF;
	s2 =	simm.s32 @!p0 $0x1C02  }
0xdb: {  	[timem:s3], [sflag:s2] =	dma.local @!p0 [hbm:s0], s1  }
0xdc: {  	s0 =	simm.s32 @!p0 $0x2  }
0xdd: {  	_ =	swait.ge @!p0 [sflag:s0], s1  }
0xde: {  	s1 =	ssub.s32 @!p0 $0x0, s1;
	[sflag:s0] =	ssyncset.done @!p0 $0x0  }
0xdf: {  	[sflag:s0] =	ssyncadd.s32 @!p0 s1  }
0xe0: {  	[bflag:$0x3] =	sbarrier.arrive $0xFFFF  }
0xe1: {  	_ =	shalt  }

</sc_bundles>
